<compile_context>
chip_gen: v7x
topology: tpu7x:2x2x1
jax: 0.10.2.dev20260603
libtpu: 0.0.44.dev20260713+nightly
codegen_flags: <defaults>
</compile_context>

<pallas_src>
import functools

import jax
import jax.numpy as jnp
from jax import lax
from jax.experimental import pallas as pl
from jax.experimental.pallas import tpu as pltpu
from jax.experimental.pallas import tpu_sc as plsc

E = 64
D = 1024
FF = 1024
T = 8192
CAP = 160
CHUNK = 1024
NROWS = E * CAP
XE_ROWS = NROWS + 8
WIN = 64



def _router_body(x_ref, wg_ref, idxd_ref, idxc_ref, gk_ref, xb_ref, cnt_ref):
    step = pl.program_id(0)

    @pl.when(step == 0)
    def _():
        cnt_ref[...] = jnp.zeros_like(cnt_ref)

    xb = x_ref[...].astype(jnp.bfloat16)
    xb_ref[...] = _pack2(xb[:, :DP], xb[:, DP:])
    wg = wg_ref[...]
    logits = jnp.dot(xb, wg.astype(jnp.bfloat16),
                     preferred_element_type=jnp.float32)
    m = jnp.max(logits, axis=1, keepdims=True)
    ssum = jnp.sum(jnp.exp(logits - m), axis=1, keepdims=True)
    g = 1.0 / ssum

    lane = lax.broadcasted_iota(jnp.int32, (CHUNK, E), 1)
    e_idx = jnp.min(jnp.where(logits == m, lane, E), axis=1, keepdims=True)
    onehot = (lane == e_idx).astype(jnp.float32)

    r = lax.broadcasted_iota(jnp.int32, (CHUNK, CHUNK), 0)
    c = lax.broadcasted_iota(jnp.int32, (CHUNK, CHUNK), 1)
    tri = (c < r).astype(jnp.bfloat16)
    pos_in = jnp.dot(tri, onehot.astype(jnp.bfloat16),
                     preferred_element_type=jnp.float32)

    carry = cnt_ref[0:1, :]
    pos = jnp.sum((pos_in + carry) * onehot, axis=1, keepdims=True)
    cnt_ref[0:1, :] = carry + jnp.sum(onehot, axis=0, keepdims=True)

    pos_i = pos.astype(jnp.int32)
    keep = pos_i < CAP
    slot = e_idx * CAP + jnp.minimum(pos_i, CAP - 1)
    idxd_ref[...] = jnp.where(keep, slot, NROWS)
    idxc_ref[...] = jnp.where(keep, slot, 0)
    gk_ref[...] = jnp.where(keep, g, 0.0)


def _router(x, wg):
    return pl.pallas_call(
        _router_body,
        grid=(T // CHUNK,),
        in_specs=[
            pl.BlockSpec((CHUNK, D), lambda i: (i, 0)),
            pl.BlockSpec((D, E), lambda i: (0, 0)),
        ],
        out_specs=[
            pl.BlockSpec((CHUNK, 1), lambda i: (i, 0)),
            pl.BlockSpec((CHUNK, 1), lambda i: (i, 0)),
            pl.BlockSpec((CHUNK, 1), lambda i: (i, 0)),
            pl.BlockSpec((CHUNK, DP), lambda i: (i, 0)),
        ],
        out_shape=[
            jax.ShapeDtypeStruct((T, 1), jnp.int32),
            jax.ShapeDtypeStruct((T, 1), jnp.int32),
            jax.ShapeDtypeStruct((T, 1), jnp.float32),
            jax.ShapeDtypeStruct((T, DP), jnp.float32),
        ],
        scratch_shapes=[pltpu.VMEM((8, E), jnp.float32)],
    )(x, wg)



DP = D // 2


def _pack2(a, b):
    au = lax.bitcast_convert_type(a, jnp.uint16).astype(jnp.uint32)
    bu = lax.bitcast_convert_type(b, jnp.uint16).astype(jnp.uint32)
    return lax.bitcast_convert_type((au << 16) | bu, jnp.float32)


def _unpack2(w):
    wu = lax.bitcast_convert_type(w, jnp.uint32)
    a = lax.bitcast_convert_type((wu >> 16).astype(jnp.uint16), jnp.bfloat16)
    b = lax.bitcast_convert_type(wu.astype(jnp.uint16), jnp.bfloat16)
    return a, b


NC = 2
NS = 16
NW = NC * NS
CPT = T // NW
NCHUNK = CPT // WIN


def _dispatch(x, idx):
    idx2 = idx.reshape(T // WIN, WIN)
    mesh = plsc.VectorSubcoreMesh(core_axis_name="core",
                                  subcore_axis_name="subcore")

    @functools.partial(
        pl.kernel,
        out_type=jax.ShapeDtypeStruct((XE_ROWS, DP), jnp.float32),
        mesh=mesh,
        scratch_types=[
            pltpu.VMEM((NCHUNK, WIN), jnp.int32),
            pltpu.VMEM((WIN, DP), jnp.float32),
            pltpu.VMEM((WIN, DP), jnp.float32),
            pltpu.SemaphoreType.DMA,
            pltpu.SemaphoreType.DMA,
            pltpu.SemaphoreType.DMA,
            pltpu.SemaphoreType.DMA,
        ])
    def k(x_hbm, i_hbm, o_hbm, idx_v, buf0, buf1, sl0, sl1, ss0, ss1):
        wid = lax.axis_index("subcore") * NC + lax.axis_index("core")
        base = wid * CPT
        bufs, sls, sss = (buf0, buf1), (sl0, sl1), (ss0, ss1)
        pltpu.sync_copy(i_hbm.at[pl.ds(wid * NCHUNK, NCHUNK)], idx_v)
        loads = [None] * NCHUNK
        scats = [None] * NCHUNK
        loads[0] = pltpu.async_copy(
            x_hbm.at[pl.ds(base, WIN)], bufs[0], sls[0])
        for j in range(NCHUNK):
            b = j & 1
            loads[j].wait()
            scats[j] = pltpu.async_copy(
                bufs[b], o_hbm.at[idx_v.at[j]], sss[b])
            if j >= 1:
                scats[j - 1].wait()
            if j + 1 < NCHUNK:
                loads[j + 1] = pltpu.async_copy(
                    x_hbm.at[pl.ds(base + (j + 1) * WIN, WIN)],
                    bufs[(j + 1) & 1], sls[(j + 1) & 1])
        scats[NCHUNK - 1].wait()

    return k(x, idx2)



EPG = 1


def _ffn_body(xe_ref, w1_ref, b1_ref, w2_ref, b2_ref, ye_ref):
    for k in range(EPG):
        rows = pl.ds(k * CAP, CAP)
        xa, xc = _unpack2(xe_ref[rows, :])
        xb = jnp.concatenate([xa, xc], axis=1)
        w1 = w1_ref[k].astype(jnp.bfloat16)
        h = jnp.maximum(
            jnp.dot(xb, w1, preferred_element_type=jnp.float32)
            + b1_ref[k], 0.0)
        w2 = w2_ref[k].astype(jnp.bfloat16)
        y = jnp.dot(h.astype(jnp.bfloat16), w2,
                    preferred_element_type=jnp.float32) + b2_ref[k]
        yb = y.astype(jnp.bfloat16)
        ye_ref[rows, :] = _pack2(yb[:, :DP], yb[:, DP:])


def _ffn(xe, w1, b1, w2, b2):
    return pl.pallas_call(
        _ffn_body,
        grid=(E // EPG,),
        in_specs=[
            pl.BlockSpec((EPG * CAP, DP), lambda e: (e, 0)),
            pl.BlockSpec((EPG, D, FF), lambda e: (e, 0, 0)),
            pl.BlockSpec((EPG, 1, FF), lambda e: (e, 0, 0)),
            pl.BlockSpec((EPG, FF, D), lambda e: (e, 0, 0)),
            pl.BlockSpec((EPG, 1, D), lambda e: (e, 0, 0)),
        ],
        out_specs=pl.BlockSpec((EPG * CAP, DP), lambda e: (e, 0)),
        out_shape=jax.ShapeDtypeStruct((NROWS, DP), jnp.float32),
    )(xe, w1, b1, w2, b2)



def _combine(ye, idx):
    idx2 = idx.reshape(T // WIN, WIN)
    mesh = plsc.VectorSubcoreMesh(core_axis_name="core",
                                  subcore_axis_name="subcore")

    @functools.partial(
        pl.kernel,
        out_type=jax.ShapeDtypeStruct((T, DP), jnp.float32),
        mesh=mesh,
        scratch_types=[
            pltpu.VMEM((NCHUNK, WIN), jnp.int32),
            pltpu.VMEM((WIN, DP), jnp.float32),
            pltpu.VMEM((WIN, DP), jnp.float32),
            pltpu.SemaphoreType.DMA,
            pltpu.SemaphoreType.DMA,
            pltpu.SemaphoreType.DMA,
            pltpu.SemaphoreType.DMA,
        ])
    def k(ye_hbm, i_hbm, o_hbm, idx_v, buf0, buf1, sg0, sg1, st0, st1):
        wid = lax.axis_index("subcore") * NC + lax.axis_index("core")
        base = wid * CPT
        bufs, sgs, sts = (buf0, buf1), (sg0, sg1), (st0, st1)
        pltpu.sync_copy(i_hbm.at[pl.ds(wid * NCHUNK, NCHUNK)], idx_v)
        gats = [None] * NCHUNK
        stos = [None] * NCHUNK
        gats[0] = pltpu.async_copy(ye_hbm.at[idx_v.at[0]], bufs[0], sgs[0])
        for j in range(NCHUNK):
            b = j & 1
            gats[j].wait()
            stos[j] = pltpu.async_copy(
                bufs[b], o_hbm.at[pl.ds(base + j * WIN, WIN)], sts[b])
            if j >= 1:
                stos[j - 1].wait()
            if j + 1 < NCHUNK:
                gats[j + 1] = pltpu.async_copy(
                    ye_hbm.at[idx_v.at[j + 1]], bufs[(j + 1) & 1],
                    sgs[(j + 1) & 1])
        stos[NCHUNK - 1].wait()

    return k(ye, idx2)



def _final_body(x_ref, yg_ref, gk_ref, y_ref):
    gk = gk_ref[...]
    xa, xc = _unpack2(x_ref[...])
    x = jnp.concatenate([xa, xc], axis=1).astype(jnp.float32)
    ya, yb = _unpack2(yg_ref[...])
    yg = jnp.concatenate([ya, yb], axis=1).astype(jnp.float32)
    y_ref[...] = x + jnp.where(gk > 0.0, gk * yg, 0.0)


def _final(x, yg, gk):
    return pl.pallas_call(
        _final_body,
        grid=(T // CHUNK,),
        in_specs=[
            pl.BlockSpec((CHUNK, DP), lambda i: (i, 0)),
            pl.BlockSpec((CHUNK, DP), lambda i: (i, 0)),
            pl.BlockSpec((CHUNK, 1), lambda i: (i, 0)),
        ],
        out_specs=pl.BlockSpec((CHUNK, D), lambda i: (i, 0)),
        out_shape=jax.ShapeDtypeStruct((T, D), jnp.float32),
    )(x, yg, gk)



def kernel(x, Wg, W1, b1, W2, b2):
    idxd, idxc, gk, xbf = _router(x, Wg)
    xe = _dispatch(xbf, idxd.reshape(T))
    ye = _ffn(xe, W1, b1.reshape(E, 1, FF), W2, b2.reshape(E, 1, D))
    yg = _combine(ye, idxc.reshape(T))
    return _final(xbf, yg, gk)

# --- scband reference (transcript-rebuilt; emitter-appended) ---
"""Pipeline reference for scband-transformer-seq-layer-15444702397194 (READ-ONLY COPY).

The authoritative reference and input builder live on the scoring server;
editing this copy changes nothing except your own understanding.
"""

import jax, jax.numpy as jnp
import numpy as np

E = 64      # num_experts
TOPK = 1    # moe_top_k
D = 1024    # hidden_size
FF = 1024   # inner_hidden_size
T = 8192    # tokens = 4 * 2048
CAP = 160   # expert capacity = ceil(T*TOPK/E * 1.25)


def setup_inputs(seed: int = 0) -> dict:
    key = jax.random.key(seed)
    ks = jax.random.split(key, 4)
    x = jax.random.normal(ks[0], (T, D), dtype=jnp.float32)
    Wg = jax.random.normal(ks[1], (D, E), dtype=jnp.float32) * (1.0 / np.sqrt(D))
    W1 = jax.random.normal(ks[2], (E, D, FF), dtype=jnp.float32) * (1.0 / np.sqrt(D))
    b1 = jnp.zeros((E, FF), dtype=jnp.float32)
    W2 = jax.random.normal(ks[3], (E, FF, D), dtype=jnp.float32) * (1.0 / np.sqrt(FF))
    b2 = jnp.zeros((E, D), dtype=jnp.float32)
    return {"x": x, "Wg": Wg, "W1": W1, "b1": b1, "W2": W2, "b2": b2}


def _moe_mlp(x, Wg, W1, b1, W2, b2):
    # NaiveGate: softmax router, top-k expert selection
    logits = x @ Wg                                   # [T, E]
    probs = jax.nn.softmax(logits, axis=-1)
    top_g, top_e = jax.lax.top_k(probs, TOPK)         # [T, k]
    e = top_e[:, 0]                                   # [T] int expert id (top-1)
    g = top_g[:, 0]                                   # [T] gate value
    # position of each token inside its expert buffer (capacity dropping)
    onehot = (e[:, None] == jnp.arange(E)[None, :]).astype(jnp.int32)  # [T, E]
    pos = jnp.take_along_axis(jnp.cumsum(onehot, axis=0) - 1, e[:, None], axis=1)[:, 0]
    keep = (pos < CAP).astype(x.dtype)
    pos_c = jnp.minimum(pos, CAP - 1)
    # dispatch: scatter tokens into per-expert buffers (SparseCore scatter-add)
    xe = jnp.zeros((E, CAP, D), dtype=x.dtype).at[e, pos_c].add(x * keep[:, None])
    # expert FFN: ReLU MLP (dropout is identity at eval)
    h = jax.nn.relu(jnp.einsum('ecd,edf->ecf', xe, W1) + b1[:, None, :])
    ye = jnp.einsum('ecf,efd->ecd', h, W2) + b2[:, None, :]
    # combine: gather each token's expert output back, weighted by gate
    y = ye[e, pos_c] * keep[:, None] * g[:, None]
    # residual connection of the transformer FF sublayer
    return x + y


def reference(x, Wg, W1, b1, W2, b2):
    return _moe_mlp(x, Wg, W1, b1, W2, b2)

if __name__ == "__main__":
    import jax
    _d = setup_inputs()
    print(jax.jit(kernel)(*tuple(_d.values())))

</pallas_src>

<mosaic_0001>
#map = affine_map<(d0, d1) -> (0, 0)>
module attributes {stable_mosaic.version = 14 : i64} {
  func.func @k(%arg0: i32, %arg1: i32, %arg2: memref<8192x512xf32, #tpu.memory_space<hbm>>, %arg3: memref<128x64xi32, #tpu.memory_space<hbm>>, %arg4: memref<10248x512xf32, #tpu.memory_space<hbm>>, %arg5: memref<4x64xi32, #tpu.memory_space<vmem>>, %arg6: memref<64x512xf32, #tpu.memory_space<vmem>>, %arg7: memref<64x512xf32, #tpu.memory_space<vmem>>, %arg8: memref<!tpu.dma_semaphore, #tpu.memory_space<semaphore_mem>>, %arg9: memref<!tpu.dma_semaphore, #tpu.memory_space<semaphore_mem>>, %arg10: memref<!tpu.dma_semaphore, #tpu.memory_space<semaphore_mem>>, %arg11: memref<!tpu.dma_semaphore, #tpu.memory_space<semaphore_mem>>) attributes {dimension_semantics = [#tpu.dimension_semantics<core_parallel>, #tpu.dimension_semantics<subcore_parallel>], iteration_bounds = array<i64: 2, 16>, scalar_prefetch = 0 : i64, scratch_operands = 7 : i64, tpu.core_type = #tpu.core_type<sc_vector_subcore>, window_params = [{transform_indices = #map}, {transform_indices = #map}, {transform_indices = #map}]} {
    %mul3A = arith.constant 2 : i32
    %mul3A_0 = arith.muli %arg1, %mul3A : i32
    %add3A = arith.addi %mul3A_0, %arg0 : i32
    %mul3A_1 = arith.constant 256 : i32
    %mul3A_2 = arith.muli %add3A, %mul3A_1 : i32
    %mul3A_3 = arith.constant 4 : i32
    %mul3A_4 = arith.muli %add3A, %mul3A_3 : i32
    "tpu.region"() ({
      %run_scoped3A = tpu.sem_alloc : memref<!tpu.dma_semaphore, #tpu.memory_space<semaphore_mem>>
      %dma_start3A_97 = arith.constant 0 : i32
      %dma_start3A_98 = tpu.memref_slice %arg3[%mul3A_4, %dma_start3A_97] : memref<128x64xi32, #tpu.memory_space<hbm>> -> memref<4x64xi32, #tpu.memory_space<hbm>>
      %dma_start3A_99 = arith.constant 0 : i32
      %dma_start3A_100 = tpu.memref_slice %arg3[%mul3A_4, %dma_start3A_99] : memref<128x64xi32, #tpu.memory_space<hbm>> -> memref<4x64xi32, #tpu.memory_space<hbm>>
      tpu.enqueue_dma source(%dma_start3A_100 : memref<4x64xi32, #tpu.memory_space<hbm>>) target(%arg5 : memref<4x64xi32, #tpu.memory_space<vmem>>) target_semaphore(%run_scoped3A : memref<!tpu.dma_semaphore, #tpu.memory_space<semaphore_mem>>)
      %dma_wait3A_101 = arith.constant 0 : i32
      %dma_wait3A_102 = tpu.memref_slice %arg3[%mul3A_4, %dma_wait3A_101] : memref<128x64xi32, #tpu.memory_space<hbm>> -> memref<4x64xi32, #tpu.memory_space<hbm>>
      %dma_wait3A_103 = arith.constant 0 : i32
      %dma_wait3A_104 = tpu.memref_slice %arg3[%mul3A_4, %dma_wait3A_103] : memref<128x64xi32, #tpu.memory_space<hbm>> -> memref<4x64xi32, #tpu.memory_space<hbm>>
      tpu.wait_dma2 semaphore(%run_scoped3A : memref<!tpu.dma_semaphore, #tpu.memory_space<semaphore_mem>>) src(%dma_wait3A_104 : memref<4x64xi32, #tpu.memory_space<hbm>>) dst(%arg5 : memref<4x64xi32, #tpu.memory_space<vmem>>)
      tpu.yield
    }) : () -> ()
    %dma_start3A = arith.constant 0 : i32
    %dma_start3A_5 = tpu.memref_slice %arg2[%mul3A_2, %dma_start3A] : memref<8192x512xf32, #tpu.memory_space<hbm>> -> memref<64x512xf32, #tpu.memory_space<hbm>>
    %dma_start3A_6 = arith.constant 0 : i32
    %dma_start3A_7 = tpu.memref_slice %arg2[%mul3A_2, %dma_start3A_6] : memref<8192x512xf32, #tpu.memory_space<hbm>> -> memref<64x512xf32, #tpu.memory_space<hbm>>
    tpu.enqueue_dma source(%dma_start3A_7 : memref<64x512xf32, #tpu.memory_space<hbm>>) target(%arg6 : memref<64x512xf32, #tpu.memory_space<vmem>>) target_semaphore(%arg8 : memref<!tpu.dma_semaphore, #tpu.memory_space<semaphore_mem>>)
    %dma_wait3A = arith.constant 0 : i32
    %dma_wait3A_8 = tpu.memref_slice %arg2[%mul3A_2, %dma_wait3A] : memref<8192x512xf32, #tpu.memory_space<hbm>> -> memref<64x512xf32, #tpu.memory_space<hbm>>
    %dma_wait3A_9 = arith.constant 0 : i32
    %dma_wait3A_10 = tpu.memref_slice %arg2[%mul3A_2, %dma_wait3A_9] : memref<8192x512xf32, #tpu.memory_space<hbm>> -> memref<64x512xf32, #tpu.memory_space<hbm>>
    tpu.wait_dma2 semaphore(%arg8 : memref<!tpu.dma_semaphore, #tpu.memory_space<semaphore_mem>>) src(%dma_wait3A_10 : memref<64x512xf32, #tpu.memory_space<hbm>>) dst(%arg6 : memref<64x512xf32, #tpu.memory_space<vmem>>)
    %dma_start3A_11 = arith.constant 0 : i32
    %dma_start3A_12 = arith.constant 0 : i32
    %dma_start3A_13 = tpu.memref_slice %arg5[%dma_start3A_11, %dma_start3A_12] : memref<4x64xi32, #tpu.memory_space<vmem>> -> memref<1x64xi32, #tpu.memory_space<vmem>>
    %dma_start3A_14 = tpu.memref_squeeze %dma_start3A_13 : memref<1x64xi32, #tpu.memory_space<vmem>> -> memref<64xi32, #tpu.memory_space<vmem>>
    %dma_start3A_15 = arith.constant 0 : i32
    %dma_start3A_16 = arith.constant 0 : i32
    %dma_start3A_17 = tpu.memref_slice %arg4[%dma_start3A_15, %dma_start3A_16] : memref<10248x512xf32, #tpu.memory_space<hbm>> -> memref<10248x512xf32, #tpu.memory_space<hbm>>
    tpu.enqueue_indirect_dma source(%arg6 : memref<64x512xf32, #tpu.memory_space<vmem>>) target(%dma_start3A_17 : memref<10248x512xf32, #tpu.memory_space<hbm>>) offsets(%dma_start3A_14 : memref<64xi32, #tpu.memory_space<vmem>>) semaphore(%arg10 : memref<!tpu.dma_semaphore, #tpu.memory_space<semaphore_mem>>)
    %add3A_18 = arith.constant 64 : i32
    %add3A_19 = arith.addi %mul3A_2, %add3A_18 : i32
    %dma_start3A_20 = arith.constant 0 : i32
    %dma_start3A_21 = tpu.memref_slice %arg2[%add3A_19, %dma_start3A_20] : memref<8192x512xf32, #tpu.memory_space<hbm>> -> memref<64x512xf32, #tpu.memory_space<hbm>>
    %dma_start3A_22 = arith.constant 0 : i32
    %dma_start3A_23 = tpu.memref_slice %arg2[%add3A_19, %dma_start3A_22] : memref<8192x512xf32, #tpu.memory_space<hbm>> -> memref<64x512xf32, #tpu.memory_space<hbm>>
    tpu.enqueue_dma source(%dma_start3A_23 : memref<64x512xf32, #tpu.memory_space<hbm>>) target(%arg7 : memref<64x512xf32, #tpu.memory_space<vmem>>) target_semaphore(%arg9 : memref<!tpu.dma_semaphore, #tpu.memory_space<semaphore_mem>>)
    %dma_wait3A_24 = arith.constant 0 : i32
    %dma_wait3A_25 = tpu.memref_slice %arg2[%add3A_19, %dma_wait3A_24] : memref<8192x512xf32, #tpu.memory_space<hbm>> -> memref<64x512xf32, #tpu.memory_space<hbm>>
    %dma_wait3A_26 = arith.constant 0 : i32
    %dma_wait3A_27 = tpu.memref_slice %arg2[%add3A_19, %dma_wait3A_26] : memref<8192x512xf32, #tpu.memory_space<hbm>> -> memref<64x512xf32, #tpu.memory_space<hbm>>
    tpu.wait_dma2 semaphore(%arg9 : memref<!tpu.dma_semaphore, #tpu.memory_space<semaphore_mem>>) src(%dma_wait3A_27 : memref<64x512xf32, #tpu.memory_space<hbm>>) dst(%arg7 : memref<64x512xf32, #tpu.memory_space<vmem>>)
    %dma_start3A_28 = arith.constant 1 : i32
    %dma_start3A_29 = arith.constant 0 : i32
    %dma_start3A_30 = tpu.memref_slice %arg5[%dma_start3A_28, %dma_start3A_29] : memref<4x64xi32, #tpu.memory_space<vmem>> -> memref<1x64xi32, #tpu.memory_space<vmem>>
    %dma_start3A_31 = tpu.memref_squeeze %dma_start3A_30 : memref<1x64xi32, #tpu.memory_space<vmem>> -> memref<64xi32, #tpu.memory_space<vmem>>
    %dma_start3A_32 = arith.constant 0 : i32
    %dma_start3A_33 = arith.constant 0 : i32
    %dma_start3A_34 = tpu.memref_slice %arg4[%dma_start3A_32, %dma_start3A_33] : memref<10248x512xf32, #tpu.memory_space<hbm>> -> memref<10248x512xf32, #tpu.memory_space<hbm>>
    tpu.enqueue_indirect_dma source(%arg7 : memref<64x512xf32, #tpu.memory_space<vmem>>) target(%dma_start3A_34 : memref<10248x512xf32, #tpu.memory_space<hbm>>) offsets(%dma_start3A_31 : memref<64xi32, #tpu.memory_space<vmem>>) semaphore(%arg11 : memref<!tpu.dma_semaphore, #tpu.memory_space<semaphore_mem>>)
    %dma_wait3A_35 = arith.constant 0 : i32
    %dma_wait3A_36 = arith.constant 0 : i32
    %dma_wait3A_37 = tpu.memref_slice %arg5[%dma_wait3A_35, %dma_wait3A_36] : memref<4x64xi32, #tpu.memory_space<vmem>> -> memref<1x64xi32, #tpu.memory_space<vmem>>
    %dma_wait3A_38 = tpu.memref_squeeze %dma_wait3A_37 : memref<1x64xi32, #tpu.memory_space<vmem>> -> memref<64xi32, #tpu.memory_space<vmem>>
    %dma_wait3A_39 = arith.constant 0 : i32
    %dma_wait3A_40 = arith.constant 0 : i32
    %dma_wait3A_41 = tpu.memref_slice %arg4[%dma_wait3A_39, %dma_wait3A_40] : memref<10248x512xf32, #tpu.memory_space<hbm>> -> memref<10248x512xf32, #tpu.memory_space<hbm>>
    tpu.wait_indirect_dma semaphore(%arg10 : memref<!tpu.dma_semaphore, #tpu.memory_space<semaphore_mem>>) src(%arg6 : memref<64x512xf32, #tpu.memory_space<vmem>>) dst(%dma_wait3A_41 : memref<10248x512xf32, #tpu.memory_space<hbm>>)
    %add3A_42 = arith.constant 128 : i32
    %add3A_43 = arith.addi %mul3A_2, %add3A_42 : i32
    %dma_start3A_44 = arith.constant 0 : i32
    %dma_start3A_45 = tpu.memref_slice %arg2[%add3A_43, %dma_start3A_44] : memref<8192x512xf32, #tpu.memory_space<hbm>> -> memref<64x512xf32, #tpu.memory_space<hbm>>
    %dma_start3A_46 = arith.constant 0 : i32
    %dma_start3A_47 = tpu.memref_slice %arg2[%add3A_43, %dma_start3A_46] : memref<8192x512xf32, #tpu.memory_space<hbm>> -> memref<64x512xf32, #tpu.memory_space<hbm>>
    tpu.enqueue_dma source(%dma_start3A_47 : memref<64x512xf32, #tpu.memory_space<hbm>>) target(%arg6 : memref<64x512xf32, #tpu.memory_space<vmem>>) target_semaphore(%arg8 : memref<!tpu.dma_semaphore, #tpu.memory_space<semaphore_mem>>)
    %dma_wait3A_48 = arith.constant 0 : i32
    %dma_wait3A_49 = tpu.memref_slice %arg2[%add3A_43, %dma_wait3A_48] : memref<8192x512xf32, #tpu.memory_space<hbm>> -> memref<64x512xf32, #tpu.memory_space<hbm>>
    %dma_wait3A_50 = arith.constant 0 : i32
    %dma_wait3A_51 = tpu.memref_slice %arg2[%add3A_43, %dma_wait3A_50] : memref<8192x512xf32, #tpu.memory_space<hbm>> -> memref<64x512xf32, #tpu.memory_space<hbm>>
    tpu.wait_dma2 semaphore(%arg8 : memref<!tpu.dma_semaphore, #tpu.memory_space<semaphore_mem>>) src(%dma_wait3A_51 : memref<64x512xf32, #tpu.memory_space<hbm>>) dst(%arg6 : memref<64x512xf32, #tpu.memory_space<vmem>>)
    %dma_start3A_52 = arith.constant 2 : i32
    %dma_start3A_53 = arith.constant 0 : i32
    %dma_start3A_54 = tpu.memref_slice %arg5[%dma_start3A_52, %dma_start3A_53] : memref<4x64xi32, #tpu.memory_space<vmem>> -> memref<1x64xi32, #tpu.memory_space<vmem>>
    %dma_start3A_55 = tpu.memref_squeeze %dma_start3A_54 : memref<1x64xi32, #tpu.memory_space<vmem>> -> memref<64xi32, #tpu.memory_space<vmem>>
    %dma_start3A_56 = arith.constant 0 : i32
    %dma_start3A_57 = arith.constant 0 : i32
    %dma_start3A_58 = tpu.memref_slice %arg4[%dma_start3A_56, %dma_start3A_57] : memref<10248x512xf32, #tpu.memory_space<hbm>> -> memref<10248x512xf32, #tpu.memory_space<hbm>>
    tpu.enqueue_indirect_dma source(%arg6 : memref<64x512xf32, #tpu.memory_space<vmem>>) target(%dma_start3A_58 : memref<10248x512xf32, #tpu.memory_space<hbm>>) offsets(%dma_start3A_55 : memref<64xi32, #tpu.memory_space<vmem>>) semaphore(%arg10 : memref<!tpu.dma_semaphore, #tpu.memory_space<semaphore_mem>>)
    %dma_wait3A_59 = arith.constant 1 : i32
    %dma_wait3A_60 = arith.constant 0 : i32
    %dma_wait3A_61 = tpu.memref_slice %arg5[%dma_wait3A_59, %dma_wait3A_60] : memref<4x64xi32, #tpu.memory_space<vmem>> -> memref<1x64xi32, #tpu.memory_space<vmem>>
    %dma_wait3A_62 = tpu.memref_squeeze %dma_wait3A_61 : memref<1x64xi32, #tpu.memory_space<vmem>> -> memref<64xi32, #tpu.memory_space<vmem>>
    %dma_wait3A_63 = arith.constant 0 : i32
    %dma_wait3A_64 = arith.constant 0 : i32
    %dma_wait3A_65 = tpu.memref_slice %arg4[%dma_wait3A_63, %dma_wait3A_64] : memref<10248x512xf32, #tpu.memory_space<hbm>> -> memref<10248x512xf32, #tpu.memory_space<hbm>>
    tpu.wait_indirect_dma semaphore(%arg11 : memref<!tpu.dma_semaphore, #tpu.memory_space<semaphore_mem>>) src(%arg7 : memref<64x512xf32, #tpu.memory_space<vmem>>) dst(%dma_wait3A_65 : memref<10248x512xf32, #tpu.memory_space<hbm>>)
    %add3A_66 = arith.constant 192 : i32
    %add3A_67 = arith.addi %mul3A_2, %add3A_66 : i32
    %dma_start3A_68 = arith.constant 0 : i32
    %dma_start3A_69 = tpu.memref_slice %arg2[%add3A_67, %dma_start3A_68] : memref<8192x512xf32, #tpu.memory_space<hbm>> -> memref<64x512xf32, #tpu.memory_space<hbm>>
    %dma_start3A_70 = arith.constant 0 : i32
    %dma_start3A_71 = tpu.memref_slice %arg2[%add3A_67, %dma_start3A_70] : memref<8192x512xf32, #tpu.memory_space<hbm>> -> memref<64x512xf32, #tpu.memory_space<hbm>>
    tpu.enqueue_dma source(%dma_start3A_71 : memref<64x512xf32, #tpu.memory_space<hbm>>) target(%arg7 : memref<64x512xf32, #tpu.memory_space<vmem>>) target_semaphore(%arg9 : memref<!tpu.dma_semaphore, #tpu.memory_space<semaphore_mem>>)
    %dma_wait3A_72 = arith.constant 0 : i32
    %dma_wait3A_73 = tpu.memref_slice %arg2[%add3A_67, %dma_wait3A_72] : memref<8192x512xf32, #tpu.memory_space<hbm>> -> memref<64x512xf32, #tpu.memory_space<hbm>>
    %dma_wait3A_74 = arith.constant 0 : i32
    %dma_wait3A_75 = tpu.memref_slice %arg2[%add3A_67, %dma_wait3A_74] : memref<8192x512xf32, #tpu.memory_space<hbm>> -> memref<64x512xf32, #tpu.memory_space<hbm>>
    tpu.wait_dma2 semaphore(%arg9 : memref<!tpu.dma_semaphore, #tpu.memory_space<semaphore_mem>>) src(%dma_wait3A_75 : memref<64x512xf32, #tpu.memory_space<hbm>>) dst(%arg7 : memref<64x512xf32, #tpu.memory_space<vmem>>)
    %dma_start3A_76 = arith.constant 3 : i32
    %dma_start3A_77 = arith.constant 0 : i32
    %dma_start3A_78 = tpu.memref_slice %arg5[%dma_start3A_76, %dma_start3A_77] : memref<4x64xi32, #tpu.memory_space<vmem>> -> memref<1x64xi32, #tpu.memory_space<vmem>>
    %dma_start3A_79 = tpu.memref_squeeze %dma_start3A_78 : memref<1x64xi32, #tpu.memory_space<vmem>> -> memref<64xi32, #tpu.memory_space<vmem>>
    %dma_start3A_80 = arith.constant 0 : i32
    %dma_start3A_81 = arith.constant 0 : i32
    %dma_start3A_82 = tpu.memref_slice %arg4[%dma_start3A_80, %dma_start3A_81] : memref<10248x512xf32, #tpu.memory_space<hbm>> -> memref<10248x512xf32, #tpu.memory_space<hbm>>
    tpu.enqueue_indirect_dma source(%arg7 : memref<64x512xf32, #tpu.memory_space<vmem>>) target(%dma_start3A_82 : memref<10248x512xf32, #tpu.memory_space<hbm>>) offsets(%dma_start3A_79 : memref<64xi32, #tpu.memory_space<vmem>>) semaphore(%arg11 : memref<!tpu.dma_semaphore, #tpu.memory_space<semaphore_mem>>)
    %dma_wait3A_83 = arith.constant 2 : i32
    %dma_wait3A_84 = arith.constant 0 : i32
    %dma_wait3A_85 = tpu.memref_slice %arg5[%dma_wait3A_83, %dma_wait3A_84] : memref<4x64xi32, #tpu.memory_space<vmem>> -> memref<1x64xi32, #tpu.memory_space<vmem>>
    %dma_wait3A_86 = tpu.memref_squeeze %dma_wait3A_85 : memref<1x64xi32, #tpu.memory_space<vmem>> -> memref<64xi32, #tpu.memory_space<vmem>>
    %dma_wait3A_87 = arith.constant 0 : i32
    %dma_wait3A_88 = arith.constant 0 : i32
    %dma_wait3A_89 = tpu.memref_slice %arg4[%dma_wait3A_87, %dma_wait3A_88] : memref<10248x512xf32, #tpu.memory_space<hbm>> -> memref<10248x512xf32, #tpu.memory_space<hbm>>
    tpu.wait_indirect_dma semaphore(%arg10 : memref<!tpu.dma_semaphore, #tpu.memory_space<semaphore_mem>>) src(%arg6 : memref<64x512xf32, #tpu.memory_space<vmem>>) dst(%dma_wait3A_89 : memref<10248x512xf32, #tpu.memory_space<hbm>>)
    %dma_wait3A_90 = arith.constant 3 : i32
    %dma_wait3A_91 = arith.constant 0 : i32
    %dma_wait3A_92 = tpu.memref_slice %arg5[%dma_wait3A_90, %dma_wait3A_91] : memref<4x64xi32, #tpu.memory_space<vmem>> -> memref<1x64xi32, #tpu.memory_space<vmem>>
    %dma_wait3A_93 = tpu.memref_squeeze %dma_wait3A_92 : memref<1x64xi32, #tpu.memory_space<vmem>> -> memref<64xi32, #tpu.memory_space<vmem>>
    %dma_wait3A_94 = arith.constant 0 : i32
    %dma_wait3A_95 = arith.constant 0 : i32
    %dma_wait3A_96 = tpu.memref_slice %arg4[%dma_wait3A_94, %dma_wait3A_95] : memref<10248x512xf32, #tpu.memory_space<hbm>> -> memref<10248x512xf32, #tpu.memory_space<hbm>>
    tpu.wait_indirect_dma semaphore(%arg11 : memref<!tpu.dma_semaphore, #tpu.memory_space<semaphore_mem>>) src(%arg7 : memref<64x512xf32, #tpu.memory_space<vmem>>) dst(%dma_wait3A_96 : memref<10248x512xf32, #tpu.memory_space<hbm>>)
    return
  }
}

#map = affine_map<(d0, d1) -> (0, 0)>
module attributes {stable_mosaic.version = 14 : i64} {
  func.func @k(%arg0: i32, %arg1: i32, %arg2: memref<10240x512xf32, #tpu.memory_space<hbm>>, %arg3: memref<128x64xi32, #tpu.memory_space<hbm>>, %arg4: memref<8192x512xf32, #tpu.memory_space<hbm>>, %arg5: memref<4x64xi32, #tpu.memory_space<vmem>>, %arg6: memref<64x512xf32, #tpu.memory_space<vmem>>, %arg7: memref<64x512xf32, #tpu.memory_space<vmem>>, %arg8: memref<!tpu.dma_semaphore, #tpu.memory_space<semaphore_mem>>, %arg9: memref<!tpu.dma_semaphore, #tpu.memory_space<semaphore_mem>>, %arg10: memref<!tpu.dma_semaphore, #tpu.memory_space<semaphore_mem>>, %arg11: memref<!tpu.dma_semaphore, #tpu.memory_space<semaphore_mem>>) attributes {dimension_semantics = [#tpu.dimension_semantics<core_parallel>, #tpu.dimension_semantics<subcore_parallel>], iteration_bounds = array<i64: 2, 16>, scalar_prefetch = 0 : i64, scratch_operands = 7 : i64, tpu.core_type = #tpu.core_type<sc_vector_subcore>, window_params = [{transform_indices = #map}, {transform_indices = #map}, {transform_indices = #map}]} {
    %mul3A = arith.constant 2 : i32
    %mul3A_0 = arith.muli %arg1, %mul3A : i32
    %add3A = arith.addi %mul3A_0, %arg0 : i32
    %mul3A_1 = arith.constant 256 : i32
    %mul3A_2 = arith.muli %add3A, %mul3A_1 : i32
    %mul3A_3 = arith.constant 4 : i32
    %mul3A_4 = arith.muli %add3A, %mul3A_3 : i32
    "tpu.region"() ({
      %run_scoped3A = tpu.sem_alloc : memref<!tpu.dma_semaphore, #tpu.memory_space<semaphore_mem>>
      %dma_start3A_99 = arith.constant 0 : i32
      %dma_start3A_100 = tpu.memref_slice %arg3[%mul3A_4, %dma_start3A_99] : memref<128x64xi32, #tpu.memory_space<hbm>> -> memref<4x64xi32, #tpu.memory_space<hbm>>
      %dma_start3A_101 = arith.constant 0 : i32
      %dma_start3A_102 = tpu.memref_slice %arg3[%mul3A_4, %dma_start3A_101] : memref<128x64xi32, #tpu.memory_space<hbm>> -> memref<4x64xi32, #tpu.memory_space<hbm>>
      tpu.enqueue_dma source(%dma_start3A_102 : memref<4x64xi32, #tpu.memory_space<hbm>>) target(%arg5 : memref<4x64xi32, #tpu.memory_space<vmem>>) target_semaphore(%run_scoped3A : memref<!tpu.dma_semaphore, #tpu.memory_space<semaphore_mem>>)
      %dma_wait3A_103 = arith.constant 0 : i32
      %dma_wait3A_104 = tpu.memref_slice %arg3[%mul3A_4, %dma_wait3A_103] : memref<128x64xi32, #tpu.memory_space<hbm>> -> memref<4x64xi32, #tpu.memory_space<hbm>>
      %dma_wait3A_105 = arith.constant 0 : i32
      %dma_wait3A_106 = tpu.memref_slice %arg3[%mul3A_4, %dma_wait3A_105] : memref<128x64xi32, #tpu.memory_space<hbm>> -> memref<4x64xi32, #tpu.memory_space<hbm>>
      tpu.wait_dma2 semaphore(%run_scoped3A : memref<!tpu.dma_semaphore, #tpu.memory_space<semaphore_mem>>) src(%dma_wait3A_106 : memref<4x64xi32, #tpu.memory_space<hbm>>) dst(%arg5 : memref<4x64xi32, #tpu.memory_space<vmem>>)
      tpu.yield
    }) : () -> ()
    %dma_start3A = arith.constant 0 : i32
    %dma_start3A_5 = arith.constant 0 : i32
    %dma_start3A_6 = tpu.memref_slice %arg5[%dma_start3A, %dma_start3A_5] : memref<4x64xi32, #tpu.memory_space<vmem>> -> memref<1x64xi32, #tpu.memory_space<vmem>>
    %dma_start3A_7 = tpu.memref_squeeze %dma_start3A_6 : memref<1x64xi32, #tpu.memory_space<vmem>> -> memref<64xi32, #tpu.memory_space<vmem>>
    %dma_start3A_8 = arith.constant 0 : i32
    %dma_start3A_9 = arith.constant 0 : i32
    %dma_start3A_10 = tpu.memref_slice %arg2[%dma_start3A_8, %dma_start3A_9] : memref<10240x512xf32, #tpu.memory_space<hbm>> -> memref<10240x512xf32, #tpu.memory_space<hbm>>
    tpu.enqueue_indirect_dma source(%dma_start3A_10 : memref<10240x512xf32, #tpu.memory_space<hbm>>) target(%arg6 : memref<64x512xf32, #tpu.memory_space<vmem>>) offsets(%dma_start3A_7 : memref<64xi32, #tpu.memory_space<vmem>>) semaphore(%arg8 : memref<!tpu.dma_semaphore, #tpu.memory_space<semaphore_mem>>)
    %dma_wait3A = arith.constant 0 : i32
    %dma_wait3A_11 = arith.constant 0 : i32
    %dma_wait3A_12 = tpu.memref_slice %arg5[%dma_wait3A, %dma_wait3A_11] : memref<4x64xi32, #tpu.memory_space<vmem>> -> memref<1x64xi32, #tpu.memory_space<vmem>>
    %dma_wait3A_13 = tpu.memref_squeeze %dma_wait3A_12 : memref<1x64xi32, #tpu.memory_space<vmem>> -> memref<64xi32, #tpu.memory_space<vmem>>
    %dma_wait3A_14 = arith.constant 0 : i32
    %dma_wait3A_15 = arith.constant 0 : i32
    %dma_wait3A_16 = tpu.memref_slice %arg2[%dma_wait3A_14, %dma_wait3A_15] : memref<10240x512xf32, #tpu.memory_space<hbm>> -> memref<10240x512xf32, #tpu.memory_space<hbm>>
    tpu.wait_indirect_dma semaphore(%arg8 : memref<!tpu.dma_semaphore, #tpu.memory_space<semaphore_mem>>) src(%dma_wait3A_16 : memref<10240x512xf32, #tpu.memory_space<hbm>>) dst(%arg6 : memref<64x512xf32, #tpu.memory_space<vmem>>)
    %add3A_17 = arith.constant 0 : i32
    %add3A_18 = arith.addi %mul3A_2, %add3A_17 : i32
    %dma_start3A_19 = arith.constant 0 : i32
    %dma_start3A_20 = tpu.memref_slice %arg4[%add3A_18, %dma_start3A_19] : memref<8192x512xf32, #tpu.memory_space<hbm>> -> memref<64x512xf32, #tpu.memory_space<hbm>>
    %dma_start3A_21 = arith.constant 0 : i32
    %dma_start3A_22 = tpu.memref_slice %arg4[%add3A_18, %dma_start3A_21] : memref<8192x512xf32, #tpu.memory_space<hbm>> -> memref<64x512xf32, #tpu.memory_space<hbm>>
    tpu.enqueue_dma source(%arg6 : memref<64x512xf32, #tpu.memory_space<vmem>>) target(%dma_start3A_22 : memref<64x512xf32, #tpu.memory_space<hbm>>) target_semaphore(%arg10 : memref<!tpu.dma_semaphore, #tpu.memory_space<semaphore_mem>>)
    %dma_start3A_23 = arith.constant 1 : i32
    %dma_start3A_24 = arith.constant 0 : i32
    %dma_start3A_25 = tpu.memref_slice %arg5[%dma_start3A_23, %dma_start3A_24] : memref<4x64xi32, #tpu.memory_space<vmem>> -> memref<1x64xi32, #tpu.memory_space<vmem>>
    %dma_start3A_26 = tpu.memref_squeeze %dma_start3A_25 : memref<1x64xi32, #tpu.memory_space<vmem>> -> memref<64xi32, #tpu.memory_space<vmem>>
    %dma_start3A_27 = arith.constant 0 : i32
    %dma_start3A_28 = arith.constant 0 : i32
    %dma_start3A_29 = tpu.memref_slice %arg2[%dma_start3A_27, %dma_start3A_28] : memref<10240x512xf32, #tpu.memory_space<hbm>> -> memref<10240x512xf32, #tpu.memory_space<hbm>>
    tpu.enqueue_indirect_dma source(%dma_start3A_29 : memref<10240x512xf32, #tpu.memory_space<hbm>>) target(%arg7 : memref<64x512xf32, #tpu.memory_space<vmem>>) offsets(%dma_start3A_26 : memref<64xi32, #tpu.memory_space<vmem>>) semaphore(%arg9 : memref<!tpu.dma_semaphore, #tpu.memory_space<semaphore_mem>>)
    %dma_wait3A_30 = arith.constant 1 : i32
    %dma_wait3A_31 = arith.constant 0 : i32
    %dma_wait3A_32 = tpu.memref_slice %arg5[%dma_wait3A_30, %dma_wait3A_31] : memref<4x64xi32, #tpu.memory_space<vmem>> -> memref<1x64xi32, #tpu.memory_space<vmem>>
    %dma_wait3A_33 = tpu.memref_squeeze %dma_wait3A_32 : memref<1x64xi32, #tpu.memory_space<vmem>> -> memref<64xi32, #tpu.memory_space<vmem>>
    %dma_wait3A_34 = arith.constant 0 : i32
    %dma_wait3A_35 = arith.constant 0 : i32
    %dma_wait3A_36 = tpu.memref_slice %arg2[%dma_wait3A_34, %dma_wait3A_35] : memref<10240x512xf32, #tpu.memory_space<hbm>> -> memref<10240x512xf32, #tpu.memory_space<hbm>>
    tpu.wait_indirect_dma semaphore(%arg9 : memref<!tpu.dma_semaphore, #tpu.memory_space<semaphore_mem>>) src(%dma_wait3A_36 : memref<10240x512xf32, #tpu.memory_space<hbm>>) dst(%arg7 : memref<64x512xf32, #tpu.memory_space<vmem>>)
    %add3A_37 = arith.constant 64 : i32
    %add3A_38 = arith.addi %mul3A_2, %add3A_37 : i32
    %dma_start3A_39 = arith.constant 0 : i32
    %dma_start3A_40 = tpu.memref_slice %arg4[%add3A_38, %dma_start3A_39] : memref<8192x512xf32, #tpu.memory_space<hbm>> -> memref<64x512xf32, #tpu.memory_space<hbm>>
    %dma_start3A_41 = arith.constant 0 : i32
    %dma_start3A_42 = tpu.memref_slice %arg4[%add3A_38, %dma_start3A_41] : memref<8192x512xf32, #tpu.memory_space<hbm>> -> memref<64x512xf32, #tpu.memory_space<hbm>>
    tpu.enqueue_dma source(%arg7 : memref<64x512xf32, #tpu.memory_space<vmem>>) target(%dma_start3A_42 : memref<64x512xf32, #tpu.memory_space<hbm>>) target_semaphore(%arg11 : memref<!tpu.dma_semaphore, #tpu.memory_space<semaphore_mem>>)
    %dma_wait3A_43 = arith.constant 0 : i32
    %dma_wait3A_44 = tpu.memref_slice %arg4[%add3A_18, %dma_wait3A_43] : memref<8192x512xf32, #tpu.memory_space<hbm>> -> memref<64x512xf32, #tpu.memory_space<hbm>>
    %dma_wait3A_45 = arith.constant 0 : i32
    %dma_wait3A_46 = tpu.memref_slice %arg4[%add3A_18, %dma_wait3A_45] : memref<8192x512xf32, #tpu.memory_space<hbm>> -> memref<64x512xf32, #tpu.memory_space<hbm>>
    tpu.wait_dma2 semaphore(%arg10 : memref<!tpu.dma_semaphore, #tpu.memory_space<semaphore_mem>>) src(%arg6 : memref<64x512xf32, #tpu.memory_space<vmem>>) dst(%dma_wait3A_46 : memref<64x512xf32, #tpu.memory_space<hbm>>)
    %dma_start3A_47 = arith.constant 2 : i32
    %dma_start3A_48 = arith.constant 0 : i32
    %dma_start3A_49 = tpu.memref_slice %arg5[%dma_start3A_47, %dma_start3A_48] : memref<4x64xi32, #tpu.memory_space<vmem>> -> memref<1x64xi32, #tpu.memory_space<vmem>>
    %dma_start3A_50 = tpu.memref_squeeze %dma_start3A_49 : memref<1x64xi32, #tpu.memory_space<vmem>> -> memref<64xi32, #tpu.memory_space<vmem>>
    %dma_start3A_51 = arith.constant 0 : i32
    %dma_start3A_52 = arith.constant 0 : i32
    %dma_start3A_53 = tpu.memref_slice %arg2[%dma_start3A_51, %dma_start3A_52] : memref<10240x512xf32, #tpu.memory_space<hbm>> -> memref<10240x512xf32, #tpu.memory_space<hbm>>
    tpu.enqueue_indirect_dma source(%dma_start3A_53 : memref<10240x512xf32, #tpu.memory_space<hbm>>) target(%arg6 : memref<64x512xf32, #tpu.memory_space<vmem>>) offsets(%dma_start3A_50 : memref<64xi32, #tpu.memory_space<vmem>>) semaphore(%arg8 : memref<!tpu.dma_semaphore, #tpu.memory_space<semaphore_mem>>)
    %dma_wait3A_54 = arith.constant 2 : i32
    %dma_wait3A_55 = arith.constant 0 : i32
    %dma_wait3A_56 = tpu.memref_slice %arg5[%dma_wait3A_54, %dma_wait3A_55] : memref<4x64xi32, #tpu.memory_space<vmem>> -> memref<1x64xi32, #tpu.memory_space<vmem>>
    %dma_wait3A_57 = tpu.memref_squeeze %dma_wait3A_56 : memref<1x64xi32, #tpu.memory_space<vmem>> -> memref<64xi32, #tpu.memory_space<vmem>>
    %dma_wait3A_58 = arith.constant 0 : i32
    %dma_wait3A_59 = arith.constant 0 : i32
    %dma_wait3A_60 = tpu.memref_slice %arg2[%dma_wait3A_58, %dma_wait3A_59] : memref<10240x512xf32, #tpu.memory_space<hbm>> -> memref<10240x512xf32, #tpu.memory_space<hbm>>
    tpu.wait_indirect_dma semaphore(%arg8 : memref<!tpu.dma_semaphore, #tpu.memory_space<semaphore_mem>>) src(%dma_wait3A_60 : memref<10240x512xf32, #tpu.memory_space<hbm>>) dst(%arg6 : memref<64x512xf32, #tpu.memory_space<vmem>>)
    %add3A_61 = arith.constant 128 : i32
    %add3A_62 = arith.addi %mul3A_2, %add3A_61 : i32
    %dma_start3A_63 = arith.constant 0 : i32
    %dma_start3A_64 = tpu.memref_slice %arg4[%add3A_62, %dma_start3A_63] : memref<8192x512xf32, #tpu.memory_space<hbm>> -> memref<64x512xf32, #tpu.memory_space<hbm>>
    %dma_start3A_65 = arith.constant 0 : i32
    %dma_start3A_66 = tpu.memref_slice %arg4[%add3A_62, %dma_start3A_65] : memref<8192x512xf32, #tpu.memory_space<hbm>> -> memref<64x512xf32, #tpu.memory_space<hbm>>
    tpu.enqueue_dma source(%arg6 : memref<64x512xf32, #tpu.memory_space<vmem>>) target(%dma_start3A_66 : memref<64x512xf32, #tpu.memory_space<hbm>>) target_semaphore(%arg10 : memref<!tpu.dma_semaphore, #tpu.memory_space<semaphore_mem>>)
    %dma_wait3A_67 = arith.constant 0 : i32
    %dma_wait3A_68 = tpu.memref_slice %arg4[%add3A_38, %dma_wait3A_67] : memref<8192x512xf32, #tpu.memory_space<hbm>> -> memref<64x512xf32, #tpu.memory_space<hbm>>
    %dma_wait3A_69 = arith.constant 0 : i32
    %dma_wait3A_70 = tpu.memref_slice %arg4[%add3A_38, %dma_wait3A_69] : memref<8192x512xf32, #tpu.memory_space<hbm>> -> memref<64x512xf32, #tpu.memory_space<hbm>>
    tpu.wait_dma2 semaphore(%arg11 : memref<!tpu.dma_semaphore, #tpu.memory_space<semaphore_mem>>) src(%arg7 : memref<64x512xf32, #tpu.memory_space<vmem>>) dst(%dma_wait3A_70 : memref<64x512xf32, #tpu.memory_space<hbm>>)
    %dma_start3A_71 = arith.constant 3 : i32
    %dma_start3A_72 = arith.constant 0 : i32
    %dma_start3A_73 = tpu.memref_slice %arg5[%dma_start3A_71, %dma_start3A_72] : memref<4x64xi32, #tpu.memory_space<vmem>> -> memref<1x64xi32, #tpu.memory_space<vmem>>
    %dma_start3A_74 = tpu.memref_squeeze %dma_start3A_73 : memref<1x64xi32, #tpu.memory_space<vmem>> -> memref<64xi32, #tpu.memory_space<vmem>>
    %dma_start3A_75 = arith.constant 0 : i32
    %dma_start3A_76 = arith.constant 0 : i32
    %dma_start3A_77 = tpu.memref_slice %arg2[%dma_start3A_75, %dma_start3A_76] : memref<10240x512xf32, #tpu.memory_space<hbm>> -> memref<10240x512xf32, #tpu.memory_space<hbm>>
    tpu.enqueue_indirect_dma source(%dma_start3A_77 : memref<10240x512xf32, #tpu.memory_space<hbm>>) target(%arg7 : memref<64x512xf32, #tpu.memory_space<vmem>>) offsets(%dma_start3A_74 : memref<64xi32, #tpu.memory_space<vmem>>) semaphore(%arg9 : memref<!tpu.dma_semaphore, #tpu.memory_space<semaphore_mem>>)
    %dma_wait3A_78 = arith.constant 3 : i32
    %dma_wait3A_79 = arith.constant 0 : i32
    %dma_wait3A_80 = tpu.memref_slice %arg5[%dma_wait3A_78, %dma_wait3A_79] : memref<4x64xi32, #tpu.memory_space<vmem>> -> memref<1x64xi32, #tpu.memory_space<vmem>>
    %dma_wait3A_81 = tpu.memref_squeeze %dma_wait3A_80 : memref<1x64xi32, #tpu.memory_space<vmem>> -> memref<64xi32, #tpu.memory_space<vmem>>
    %dma_wait3A_82 = arith.constant 0 : i32
    %dma_wait3A_83 = arith.constant 0 : i32
    %dma_wait3A_84 = tpu.memref_slice %arg2[%dma_wait3A_82, %dma_wait3A_83] : memref<10240x512xf32, #tpu.memory_space<hbm>> -> memref<10240x512xf32, #tpu.memory_space<hbm>>
    tpu.wait_indirect_dma semaphore(%arg9 : memref<!tpu.dma_semaphore, #tpu.memory_space<semaphore_mem>>) src(%dma_wait3A_84 : memref<10240x512xf32, #tpu.memory_space<hbm>>) dst(%arg7 : memref<64x512xf32, #tpu.memory_space<vmem>>)
    %add3A_85 = arith.constant 192 : i32
    %add3A_86 = arith.addi %mul3A_2, %add3A_85 : i32
    %dma_start3A_87 = arith.constant 0 : i32
    %dma_start3A_88 = tpu.memref_slice %arg4[%add3A_86, %dma_start3A_87] : memref<8192x512xf32, #tpu.memory_space<hbm>> -> memref<64x512xf32, #tpu.memory_space<hbm>>
    %dma_start3A_89 = arith.constant 0 : i32
    %dma_start3A_90 = tpu.memref_slice %arg4[%add3A_86, %dma_start3A_89] : memref<8192x512xf32, #tpu.memory_space<hbm>> -> memref<64x512xf32, #tpu.memory_space<hbm>>
    tpu.enqueue_dma source(%arg7 : memref<64x512xf32, #tpu.memory_space<vmem>>) target(%dma_start3A_90 : memref<64x512xf32, #tpu.memory_space<hbm>>) target_semaphore(%arg11 : memref<!tpu.dma_semaphore, #tpu.memory_space<semaphore_mem>>)
    %dma_wait3A_91 = arith.constant 0 : i32
    %dma_wait3A_92 = tpu.memref_slice %arg4[%add3A_62, %dma_wait3A_91] : memref<8192x512xf32, #tpu.memory_space<hbm>> -> memref<64x512xf32, #tpu.memory_space<hbm>>
    %dma_wait3A_93 = arith.constant 0 : i32
    %dma_wait3A_94 = tpu.memref_slice %arg4[%add3A_62, %dma_wait3A_93] : memref<8192x512xf32, #tpu.memory_space<hbm>> -> memref<64x512xf32, #tpu.memory_space<hbm>>
    tpu.wait_dma2 semaphore(%arg10 : memref<!tpu.dma_semaphore, #tpu.memory_space<semaphore_mem>>) src(%arg6 : memref<64x512xf32, #tpu.memory_space<vmem>>) dst(%dma_wait3A_94 : memref<64x512xf32, #tpu.memory_space<hbm>>)
    %dma_wait3A_95 = arith.constant 0 : i32
    %dma_wait3A_96 = tpu.memref_slice %arg4[%add3A_86, %dma_wait3A_95] : memref<8192x512xf32, #tpu.memory_space<hbm>> -> memref<64x512xf32, #tpu.memory_space<hbm>>
    %dma_wait3A_97 = arith.constant 0 : i32
    %dma_wait3A_98 = tpu.memref_slice %arg4[%add3A_86, %dma_wait3A_97] : memref<8192x512xf32, #tpu.memory_space<hbm>> -> memref<64x512xf32, #tpu.memory_space<hbm>>
    tpu.wait_dma2 semaphore(%arg11 : memref<!tpu.dma_semaphore, #tpu.memory_space<semaphore_mem>>) src(%arg7 : memref<64x512xf32, #tpu.memory_space<vmem>>) dst(%dma_wait3A_98 : memref<64x512xf32, #tpu.memory_space<hbm>>)
    return
  }
}

module attributes {stable_mosaic.version = 14 : i64} {
  func.func @_router_body(%arg0: i32, %arg1: memref<1024x1024xf32, #tpu.memory_space<vmem>>, %arg2: memref<1024x64xf32, #tpu.memory_space<vmem>>, %arg3: memref<1024x1xi32, #tpu.memory_space<vmem>>, %arg4: memref<1024x1xi32, #tpu.memory_space<vmem>>, %arg5: memref<1024x1xf32, #tpu.memory_space<vmem>>, %arg6: memref<1024x512xf32, #tpu.memory_space<vmem>>, %arg7: memref<8x64xf32, #tpu.memory_space<vmem>>) attributes {dimension_semantics = [#tpu.dimension_semantics<arbitrary>], iteration_bounds = array<i64: 8>, scalar_prefetch = 0 : i64, scratch_operands = 1 : i64, tpu.core_type = #tpu.core_type<tc>, window_params = [{transform_indices = @transform_0, window_bounds = array<i64: 1024, 1024>}, {pipeline_mode = #tpu.pipeline_mode<synchronous>, transform_indices = @transform_1, window_bounds = array<i64: 1024, 64>}, {transform_indices = @transform_2, window_bounds = array<i64: 1024, 1>}, {transform_indices = @transform_3, window_bounds = array<i64: 1024, 1>}, {transform_indices = @transform_4, window_bounds = array<i64: 1024, 1>}, {transform_indices = @transform_5, window_bounds = array<i64: 1024, 512>}]} {
    %eq3A = arith.constant 0 : i32
    %eq3A_0 = arith.cmpi eq, %arg0, %eq3A : i32
    %convert_element_type3A = arith.extui %eq3A_0 : i1 to i32
    %cond3A = arith.constant 0 : i32
    %cond3A_1 = arith.cmpi ne, %convert_element_type3A, %cond3A : i32
    scf.if %cond3A_1 {
      %broadcast_in_dim3A_84 = arith.constant 0.000000e+00 : f32
      %broadcast_in_dim3A_85 = vector.broadcast %broadcast_in_dim3A_84 : f32 to vector<8x64xf32>
      %swap3A_86 = arith.constant 0 : index
      %swap3A_87 = arith.constant 0 : index
      %swap3A_88 = vector.load %arg7[%swap3A_86, %swap3A_87] : memref<8x64xf32, #tpu.memory_space<vmem>>, vector<8x64xf32>
      tpu.vector_store %arg7[%swap3A_86, %swap3A_87], %broadcast_in_dim3A_85 {strides = array<i32>} : memref<8x64xf32, #tpu.memory_space<vmem>>, vector<8x64xf32>,
    } else {
    }
    %get3A = arith.constant 0 : index
    %get3A_2 = arith.constant 0 : index
    %get3A_3 = vector.load %arg1[%get3A, %get3A_2] : memref<1024x1024xf32, #tpu.memory_space<vmem>>, vector<1024x1024xf32>
    %convert_element_type3A_4 = arith.truncf %get3A_3 : vector<1024x1024xf32> to vector<1024x1024xbf16>
    %slice3A = vector.extract_strided_slice %convert_element_type3A_4 {offsets = [0, 0], sizes = [1024, 512], strides = [1, 1]} : vector<1024x1024xbf16> to vector<1024x512xbf16>
    %slice3A_5 = vector.extract_strided_slice %convert_element_type3A_4 {offsets = [0, 512], sizes = [1024, 512], strides = [1, 1]} : vector<1024x1024xbf16> to vector<1024x512xbf16>
    %bitcast_convert_type3A = tpu.bitcast %slice3A : vector<1024x512xbf16> -> vector<1024x512xi16>
    %convert_element_type3A_6 = arith.extui %bitcast_convert_type3A : vector<1024x512xi16> to vector<1024x512xi32>
    %bitcast_convert_type3A_7 = tpu.bitcast %slice3A_5 : vector<1024x512xbf16> -> vector<1024x512xi16>
    %convert_element_type3A_8 = arith.extui %bitcast_convert_type3A_7 : vector<1024x512xi16> to vector<1024x512xi32>
    %shift_left3A = arith.constant 16 : i32
    %shift_left3A_9 = vector.broadcast %shift_left3A : i32 to vector<1024x512xi32>
    %shift_left3A_10 = arith.shli %convert_element_type3A_6, %shift_left3A_9 : vector<1024x512xi32>
    %or3A = arith.ori %shift_left3A_10, %convert_element_type3A_8 : vector<1024x512xi32>
    %bitcast_convert_type3A_11 = tpu.bitcast %or3A : vector<1024x512xi32> -> vector<1024x512xf32>
    %swap3A = arith.constant 0 : index
    %swap3A_12 = arith.constant 0 : index
    %swap3A_13 = vector.load %arg6[%swap3A, %swap3A_12] : memref<1024x512xf32, #tpu.memory_space<vmem>>, vector<1024x512xf32>
    tpu.vector_store %arg6[%swap3A, %swap3A_12], %bitcast_convert_type3A_11 {strides = array<i32>} : memref<1024x512xf32, #tpu.memory_space<vmem>>, vector<1024x512xf32>,
    %get3A_14 = arith.constant 0 : index
    %get3A_15 = arith.constant 0 : index
    %get3A_16 = vector.load %arg2[%get3A_14, %get3A_15] : memref<1024x64xf32, #tpu.memory_space<vmem>>, vector<1024x64xf32>
    %convert_element_type3A_17 = arith.truncf %get3A_16 : vector<1024x64xf32> to vector<1024x64xbf16>
    %dot_general3A = arith.constant dense<0.000000e+00> : vector<1024x64xf32>
    %dot_general3A_18 = tpu.matmul %convert_element_type3A_4, %convert_element_type3A_17, %dot_general3A {dimension_numbers = #tpu.dot_dimension_numbers<[1], [0], [0], [1], [0, 0, 1, 1], [], []>, transpose_lhs_hint = false} : vector<1024x1024xbf16>, vector<1024x64xbf16>, vector<1024x64xf32> -> vector<1024x64xf32>
    %reduce_max3A = arith.constant dense<0xFF800000> : vector<1024xf32>
    %reduce_max3A_19 = vector.multi_reduction <maximumf>, %dot_general3A_18, %reduce_max3A [1] : vector<1024x64xf32> to vector<1024xf32>
    %broadcast_in_dim3A = vector.shape_cast %reduce_max3A_19 : vector<1024xf32> to vector<1024x1xf32>
    %sub3A = vector.broadcast %broadcast_in_dim3A : vector<1024x1xf32> to vector<1024x64xf32>
    %sub3A_20 = arith.subf %dot_general3A_18, %sub3A : vector<1024x64xf32>
    %exp3A = math.exp %sub3A_20 : vector<1024x64xf32>
    %reduce_sum3A = arith.constant dense<0.000000e+00> : vector<1024xf32>
    %reduce_sum3A_21 = vector.multi_reduction <add>, %exp3A, %reduce_sum3A [1] : vector<1024x64xf32> to vector<1024xf32>
    %broadcast_in_dim3A_22 = vector.shape_cast %reduce_sum3A_21 : vector<1024xf32> to vector<1024x1xf32>
    %div3A = arith.constant 1.000000e+00 : f32
    %div3A_23 = vector.broadcast %div3A : f32 to vector<1024x1xf32>
    %div3A_24 = arith.divf %div3A_23, %broadcast_in_dim3A_22 : vector<1024x1xf32>
    %iota3A = tpu.iota {dimensions = array<i32: 1>} : vector<1024x64xi32>
    %eq3A_25 = vector.broadcast %broadcast_in_dim3A : vector<1024x1xf32> to vector<1024x64xf32>
    %eq3A_26 = arith.cmpf oeq, %dot_general3A_18, %eq3A_25 : vector<1024x64xf32>
    %jit3A = arith.constant 64 : i32
    %broadcast_in_dim3A_27 = vector.broadcast %jit3A : i32 to vector<1024x64xi32>
    %select_n3A = arith.select %eq3A_26, %iota3A, %broadcast_in_dim3A_27 : vector<1024x64xi1>, vector<1024x64xi32>
    %reduce_min3A = arith.constant dense<2147483647> : vector<1024xi32>
    %reduce_min3A_28 = vector.multi_reduction <minsi>, %select_n3A, %reduce_min3A [1] : vector<1024x64xi32> to vector<1024xi32>
    %broadcast_in_dim3A_29 = vector.shape_cast %reduce_min3A_28 : vector<1024xi32> to vector<1024x1xi32>
    %eq3A_30 = vector.broadcast %broadcast_in_dim3A_29 : vector<1024x1xi32> to vector<1024x64xi32>
    %eq3A_31 = arith.cmpi eq, %iota3A, %eq3A_30 : vector<1024x64xi32>
    %convert_element_type3A_32 = arith.extui %eq3A_31 : vector<1024x64xi1> to vector<1024x64xi32>
    %convert_element_type3A_33 = arith.sitofp %convert_element_type3A_32 : vector<1024x64xi32> to vector<1024x64xf32>
    %iota3A_34 = tpu.iota {dimensions = array<i32: 0>} : vector<1024x1024xi32>
    %iota3A_35 = tpu.iota {dimensions = array<i32: 1>} : vector<1024x1024xi32>
    %lt3A = arith.cmpi slt, %iota3A_35, %iota3A_34 : vector<1024x1024xi32>
    %convert_element_type3A_36 = arith.extui %lt3A : vector<1024x1024xi1> to vector<1024x1024xi32>
    %convert_element_type3A_37 = arith.sitofp %convert_element_type3A_36 : vector<1024x1024xi32> to vector<1024x1024xf32>
    %convert_element_type3A_38 = arith.truncf %convert_element_type3A_37 : vector<1024x1024xf32> to vector<1024x1024xbf16>
    %convert_element_type3A_39 = arith.truncf %convert_element_type3A_33 : vector<1024x64xf32> to vector<1024x64xbf16>
    %dot_general3A_40 = arith.constant dense<0.000000e+00> : vector<1024x64xf32>
    %dot_general3A_41 = tpu.matmul %convert_element_type3A_38, %convert_element_type3A_39, %dot_general3A_40 {dimension_numbers = #tpu.dot_dimension_numbers<[1], [0], [0], [1], [0, 0, 1, 1], [], []>, transpose_lhs_hint = false} : vector<1024x1024xbf16>, vector<1024x64xbf16>, vector<1024x64xf32> -> vector<1024x64xf32>
    %get3A_42 = arith.constant 0 : index
    %get3A_43 = arith.constant 0 : index
    %get3A_44 = vector.load %arg7[%get3A_42, %get3A_43] : memref<8x64xf32, #tpu.memory_space<vmem>>, vector<1x64xf32>
    %add3A = vector.broadcast %get3A_44 : vector<1x64xf32> to vector<1024x64xf32>
    %add3A_45 = arith.addf %dot_general3A_41, %add3A : vector<1024x64xf32>
    %mul3A = arith.mulf %add3A_45, %convert_element_type3A_33 : vector<1024x64xf32>
    %reduce_sum3A_46 = arith.constant dense<0.000000e+00> : vector<1024xf32>
    %reduce_sum3A_47 = vector.multi_reduction <add>, %mul3A, %reduce_sum3A_46 [1] : vector<1024x64xf32> to vector<1024xf32>
    %broadcast_in_dim3A_48 = vector.shape_cast %reduce_sum3A_47 : vector<1024xf32> to vector<1024x1xf32>
    %reduce_sum3A_49 = arith.constant dense<0.000000e+00> : vector<64xf32>
    %reduce_sum3A_50 = vector.multi_reduction <add>, %convert_element_type3A_33, %reduce_sum3A_49 [0] : vector<1024x64xf32> to vector<64xf32>
    %broadcast_in_dim3A_51 = vector.shape_cast %reduce_sum3A_50 : vector<64xf32> to vector<1x64xf32>
    %add3A_52 = arith.addf %get3A_44, %broadcast_in_dim3A_51 : vector<1x64xf32>
    %swap3A_53 = arith.constant 0 : index
    %swap3A_54 = arith.constant 0 : index
    %swap3A_55 = vector.load %arg7[%swap3A_53, %swap3A_54] : memref<8x64xf32, #tpu.memory_space<vmem>>, vector<1x64xf32>
    tpu.vector_store %arg7[%swap3A_53, %swap3A_54], %add3A_52 {strides = array<i32>} : memref<8x64xf32, #tpu.memory_space<vmem>>, vector<1x64xf32>,
    %convert_element_type3A_56 = arith.fptosi %broadcast_in_dim3A_48 : vector<1024x1xf32> to vector<1024x1xi32>
    %lt3A_57 = arith.constant 160 : i32
    %lt3A_58 = vector.broadcast %lt3A_57 : i32 to vector<1024x1xi32>
    %lt3A_59 = arith.cmpi slt, %convert_element_type3A_56, %lt3A_58 : vector<1024x1xi32>
    %mul3A_60 = arith.constant 160 : i32
    %mul3A_61 = vector.broadcast %mul3A_60 : i32 to vector<1024x1xi32>
    %mul3A_62 = arith.muli %broadcast_in_dim3A_29, %mul3A_61 : vector<1024x1xi32>
    %min3A = arith.constant 159 : i32
    %min3A_63 = vector.broadcast %min3A : i32 to vector<1024x1xi32>
    %min3A_64 = arith.minsi %convert_element_type3A_56, %min3A_63 : vector<1024x1xi32>
    %add3A_65 = arith.addi %mul3A_62, %min3A_64 : vector<1024x1xi32>
    %jit3A_66 = arith.constant 10240 : i32
    %broadcast_in_dim3A_67 = vector.broadcast %jit3A_66 : i32 to vector<1024x1xi32>
    %select_n3A_68 = arith.select %lt3A_59, %add3A_65, %broadcast_in_dim3A_67 : vector<1024x1xi1>, vector<1024x1xi32>
    %swap3A_69 = arith.constant 0 : index
    %swap3A_70 = arith.constant 0 : index
    %swap3A_71 = vector.load %arg3[%swap3A_69, %swap3A_70] : memref<1024x1xi32, #tpu.memory_space<vmem>>, vector<1024x1xi32>
    tpu.vector_store %arg3[%swap3A_69, %swap3A_70], %select_n3A_68 {strides = array<i32>} : memref<1024x1xi32, #tpu.memory_space<vmem>>, vector<1024x1xi32>,
    %jit3A_72 = arith.constant 0 : i32
    %broadcast_in_dim3A_73 = vector.broadcast %jit3A_72 : i32 to vector<1024x1xi32>
    %select_n3A_74 = arith.select %lt3A_59, %add3A_65, %broadcast_in_dim3A_73 : vector<1024x1xi1>, vector<1024x1xi32>
    %swap3A_75 = arith.constant 0 : index
    %swap3A_76 = arith.constant 0 : index
    %swap3A_77 = vector.load %arg4[%swap3A_75, %swap3A_76] : memref<1024x1xi32, #tpu.memory_space<vmem>>, vector<1024x1xi32>
    tpu.vector_store %arg4[%swap3A_75, %swap3A_76], %select_n3A_74 {strides = array<i32>} : memref<1024x1xi32, #tpu.memory_space<vmem>>, vector<1024x1xi32>,
    %jit3A_78 = arith.constant 0.000000e+00 : f32
    %broadcast_in_dim3A_79 = vector.broadcast %jit3A_78 : f32 to vector<1024x1xf32>
    %select_n3A_80 = arith.select %lt3A_59, %div3A_24, %broadcast_in_dim3A_79 : vector<1024x1xi1>, vector<1024x1xf32>
    %swap3A_81 = arith.constant 0 : index
    %swap3A_82 = arith.constant 0 : index
    %swap3A_83 = vector.load %arg5[%swap3A_81, %swap3A_82] : memref<1024x1xf32, #tpu.memory_space<vmem>>, vector<1024x1xf32>
    tpu.vector_store %arg5[%swap3A_81, %swap3A_82], %select_n3A_80 {strides = array<i32>} : memref<1024x1xf32, #tpu.memory_space<vmem>>, vector<1024x1xf32>,
    return
  }
  func.func @transform_0(%arg0: i32) -> (i32, i32) {
    %c0_i32 = arith.constant 0 : i32
    %c0_i32_0 = arith.constant 0 : i32
    return %arg0, %c0_i32 : i32, i32
  }
  func.func @transform_1(%arg0: i32) -> (i32, i32) {
    %c0_i32 = arith.constant 0 : i32
    %c0_i32_0 = arith.constant 0 : i32
    %c0_i32_1 = arith.constant 0 : i32
    return %c0_i32, %c0_i32_0 : i32, i32
  }
  func.func @transform_2(%arg0: i32) -> (i32, i32) {
    %c0_i32 = arith.constant 0 : i32
    %c0_i32_0 = arith.constant 0 : i32
    return %arg0, %c0_i32 : i32, i32
  }
  func.func @transform_3(%arg0: i32) -> (i32, i32) {
    %c0_i32 = arith.constant 0 : i32
    %c0_i32_0 = arith.constant 0 : i32
    return %arg0, %c0_i32 : i32, i32
  }
  func.func @transform_4(%arg0: i32) -> (i32, i32) {
    %c0_i32 = arith.constant 0 : i32
    %c0_i32_0 = arith.constant 0 : i32
    return %arg0, %c0_i32 : i32, i32
  }
  func.func @transform_5(%arg0: i32) -> (i32, i32) {
    %c0_i32 = arith.constant 0 : i32
    %c0_i32_0 = arith.constant 0 : i32
    return %arg0, %c0_i32 : i32, i32
  }
}

module attributes {stable_mosaic.version = 14 : i64} {
  func.func @_ffn_body(%arg0: i32, %arg1: memref<160x512xf32, #tpu.memory_space<vmem>>, %arg2: memref<1x1024x1024xf32, #tpu.memory_space<vmem>>, %arg3: memref<1x1x1024xf32, #tpu.memory_space<vmem>>, %arg4: memref<1x1024x1024xf32, #tpu.memory_space<vmem>>, %arg5: memref<1x1x1024xf32, #tpu.memory_space<vmem>>, %arg6: memref<160x512xf32, #tpu.memory_space<vmem>>) attributes {dimension_semantics = [#tpu.dimension_semantics<arbitrary>], iteration_bounds = array<i64: 64>, scalar_prefetch = 0 : i64, scratch_operands = 0 : i64, tpu.core_type = #tpu.core_type<tc>, window_params = [{transform_indices = @transform_0, window_bounds = array<i64: 160, 512>}, {transform_indices = @transform_1, window_bounds = array<i64: 1, 1024, 1024>}, {transform_indices = @transform_2, window_bounds = array<i64: 1, 1, 1024>}, {transform_indices = @transform_3, window_bounds = array<i64: 1, 1024, 1024>}, {transform_indices = @transform_4, window_bounds = array<i64: 1, 1, 1024>}, {transform_indices = @transform_5, window_bounds = array<i64: 160, 512>}]} {
    %get3A = arith.constant 0 : index
    %get3A_0 = arith.constant 0 : index
    %get3A_1 = vector.load %arg1[%get3A, %get3A_0] : memref<160x512xf32, #tpu.memory_space<vmem>>, vector<160x512xf32>
    %bitcast_convert_type3A = tpu.bitcast %get3A_1 : vector<160x512xf32> -> vector<160x512xi32>
    %shift_right_logical3A = arith.constant 16 : i32
    %shift_right_logical3A_2 = vector.broadcast %shift_right_logical3A : i32 to vector<160x512xi32>
    %shift_right_logical3A_3 = arith.shrui %bitcast_convert_type3A, %shift_right_logical3A_2 : vector<160x512xi32>
    %convert_element_type3A = arith.trunci %shift_right_logical3A_3 : vector<160x512xi32> to vector<160x512xi16>
    %bitcast_convert_type3A_4 = tpu.bitcast %convert_element_type3A : vector<160x512xi16> -> vector<160x512xbf16>
    %convert_element_type3A_5 = arith.trunci %bitcast_convert_type3A : vector<160x512xi32> to vector<160x512xi16>
    %bitcast_convert_type3A_6 = tpu.bitcast %convert_element_type3A_5 : vector<160x512xi16> -> vector<160x512xbf16>
    %concatenate3A = tpu.concatenate %bitcast_convert_type3A_4, %bitcast_convert_type3A_6 in 1 : vector<160x512xbf16>, vector<160x512xbf16> -> vector<160x1024xbf16>
    %get3A_7 = arith.constant 0 : index
    %get3A_8 = arith.constant 0 : index
    %get3A_9 = arith.constant 0 : index
    %get3A_10 = vector.load %arg2[%get3A_7, %get3A_8, %get3A_9] : memref<1x1024x1024xf32, #tpu.memory_space<vmem>>, vector<1x1024x1024xf32>
    %get3A_11 = vector.shape_cast %get3A_10 : vector<1x1024x1024xf32> to vector<1024x1024xf32>
    %convert_element_type3A_12 = arith.truncf %get3A_11 : vector<1024x1024xf32> to vector<1024x1024xbf16>
    %dot_general3A = arith.constant dense<0.000000e+00> : vector<160x1024xf32>
    %dot_general3A_13 = tpu.matmul %concatenate3A, %convert_element_type3A_12, %dot_general3A {dimension_numbers = #tpu.dot_dimension_numbers<[1], [0], [0], [1], [0, 0, 1, 1], [], []>, transpose_lhs_hint = false} : vector<160x1024xbf16>, vector<1024x1024xbf16>, vector<160x1024xf32> -> vector<160x1024xf32>
    %get3A_14 = arith.constant 0 : index
    %get3A_15 = arith.constant 0 : index
    %get3A_16 = arith.constant 0 : index
    %get3A_17 = vector.load %arg3[%get3A_14, %get3A_15, %get3A_16] : memref<1x1x1024xf32, #tpu.memory_space<vmem>>, vector<1x1x1024xf32>
    %get3A_18 = vector.shape_cast %get3A_17 : vector<1x1x1024xf32> to vector<1x1024xf32>
    %add3A = vector.broadcast %get3A_18 : vector<1x1024xf32> to vector<160x1024xf32>
    %add3A_19 = arith.addf %dot_general3A_13, %add3A : vector<160x1024xf32>
    %max3A = arith.constant 0.000000e+00 : f32
    %max3A_20 = vector.broadcast %max3A : f32 to vector<160x1024xf32>
    %max3A_21 = arith.maximumf %add3A_19, %max3A_20 : vector<160x1024xf32>
    %get3A_22 = arith.constant 0 : index
    %get3A_23 = arith.constant 0 : index
    %get3A_24 = arith.constant 0 : index
    %get3A_25 = vector.load %arg4[%get3A_22, %get3A_23, %get3A_24] : memref<1x1024x1024xf32, #tpu.memory_space<vmem>>, vector<1x1024x1024xf32>
    %get3A_26 = vector.shape_cast %get3A_25 : vector<1x1024x1024xf32> to vector<1024x1024xf32>
    %convert_element_type3A_27 = arith.truncf %get3A_26 : vector<1024x1024xf32> to vector<1024x1024xbf16>
    %convert_element_type3A_28 = arith.truncf %max3A_21 : vector<160x1024xf32> to vector<160x1024xbf16>
    %dot_general3A_29 = arith.constant dense<0.000000e+00> : vector<160x1024xf32>
    %dot_general3A_30 = tpu.matmul %convert_element_type3A_28, %convert_element_type3A_27, %dot_general3A_29 {dimension_numbers = #tpu.dot_dimension_numbers<[1], [0], [0], [1], [0, 0, 1, 1], [], []>, transpose_lhs_hint = false} : vector<160x1024xbf16>, vector<1024x1024xbf16>, vector<160x1024xf32> -> vector<160x1024xf32>
    %get3A_31 = arith.constant 0 : index
    %get3A_32 = arith.constant 0 : index
    %get3A_33 = arith.constant 0 : index
    %get3A_34 = vector.load %arg5[%get3A_31, %get3A_32, %get3A_33] : memref<1x1x1024xf32, #tpu.memory_space<vmem>>, vector<1x1x1024xf32>
    %get3A_35 = vector.shape_cast %get3A_34 : vector<1x1x1024xf32> to vector<1x1024xf32>
    %add3A_36 = vector.broadcast %get3A_35 : vector<1x1024xf32> to vector<160x1024xf32>
    %add3A_37 = arith.addf %dot_general3A_30, %add3A_36 : vector<160x1024xf32>
    %convert_element_type3A_38 = arith.truncf %add3A_37 : vector<160x1024xf32> to vector<160x1024xbf16>
    %slice3A = vector.extract_strided_slice %convert_element_type3A_38 {offsets = [0, 0], sizes = [160, 512], strides = [1, 1]} : vector<160x1024xbf16> to vector<160x512xbf16>
    %slice3A_39 = vector.extract_strided_slice %convert_element_type3A_38 {offsets = [0, 512], sizes = [160, 512], strides = [1, 1]} : vector<160x1024xbf16> to vector<160x512xbf16>
    %bitcast_convert_type3A_40 = tpu.bitcast %slice3A : vector<160x512xbf16> -> vector<160x512xi16>
    %convert_element_type3A_41 = arith.extui %bitcast_convert_type3A_40 : vector<160x512xi16> to vector<160x512xi32>
    %bitcast_convert_type3A_42 = tpu.bitcast %slice3A_39 : vector<160x512xbf16> -> vector<160x512xi16>
    %convert_element_type3A_43 = arith.extui %bitcast_convert_type3A_42 : vector<160x512xi16> to vector<160x512xi32>
    %shift_left3A = arith.constant 16 : i32
    %shift_left3A_44 = vector.broadcast %shift_left3A : i32 to vector<160x512xi32>
    %shift_left3A_45 = arith.shli %convert_element_type3A_41, %shift_left3A_44 : vector<160x512xi32>
    %or3A = arith.ori %shift_left3A_45, %convert_element_type3A_43 : vector<160x512xi32>
    %bitcast_convert_type3A_46 = tpu.bitcast %or3A : vector<160x512xi32> -> vector<160x512xf32>
    %swap3A = arith.constant 0 : index
    %swap3A_47 = arith.constant 0 : index
    %swap3A_48 = vector.load %arg6[%swap3A, %swap3A_47] : memref<160x512xf32, #tpu.memory_space<vmem>>, vector<160x512xf32>
    tpu.vector_store %arg6[%swap3A, %swap3A_47], %bitcast_convert_type3A_46 {strides = array<i32>} : memref<160x512xf32, #tpu.memory_space<vmem>>, vector<160x512xf32>,
    return
  }
  func.func @transform_0(%arg0: i32) -> (i32, i32) {
    %c0_i32 = arith.constant 0 : i32
    %c0_i32_0 = arith.constant 0 : i32
    return %arg0, %c0_i32 : i32, i32
  }
  func.func @transform_1(%arg0: i32) -> (i32, i32, i32) {
    %c0_i32 = arith.constant 0 : i32
    %c0_i32_0 = arith.constant 0 : i32
    %c0_i32_1 = arith.constant 0 : i32
    return %arg0, %c0_i32, %c0_i32_0 : i32, i32, i32
  }
  func.func @transform_2(%arg0: i32) -> (i32, i32, i32) {
    %c0_i32 = arith.constant 0 : i32
    %c0_i32_0 = arith.constant 0 : i32
    %c0_i32_1 = arith.constant 0 : i32
    return %arg0, %c0_i32, %c0_i32_0 : i32, i32, i32
  }
  func.func @transform_3(%arg0: i32) -> (i32, i32, i32) {
    %c0_i32 = arith.constant 0 : i32
    %c0_i32_0 = arith.constant 0 : i32
    %c0_i32_1 = arith.constant 0 : i32
    return %arg0, %c0_i32, %c0_i32_0 : i32, i32, i32
  }
  func.func @transform_4(%arg0: i32) -> (i32, i32, i32) {
    %c0_i32 = arith.constant 0 : i32
    %c0_i32_0 = arith.constant 0 : i32
    %c0_i32_1 = arith.constant 0 : i32
    return %arg0, %c0_i32, %c0_i32_0 : i32, i32, i32
  }
  func.func @transform_5(%arg0: i32) -> (i32, i32) {
    %c0_i32 = arith.constant 0 : i32
    %c0_i32_0 = arith.constant 0 : i32
    return %arg0, %c0_i32 : i32, i32
  }
}

module attributes {stable_mosaic.version = 14 : i64} {
  func.func @_final_body(%arg0: i32, %arg1: memref<1024x512xf32, #tpu.memory_space<vmem>>, %arg2: memref<1024x512xf32, #tpu.memory_space<vmem>>, %arg3: memref<1024x1xf32, #tpu.memory_space<vmem>>, %arg4: memref<1024x1024xf32, #tpu.memory_space<vmem>>) attributes {dimension_semantics = [#tpu.dimension_semantics<arbitrary>], iteration_bounds = array<i64: 8>, scalar_prefetch = 0 : i64, scratch_operands = 0 : i64, tpu.core_type = #tpu.core_type<tc>, window_params = [{transform_indices = @transform_0, window_bounds = array<i64: 1024, 512>}, {transform_indices = @transform_1, window_bounds = array<i64: 1024, 512>}, {transform_indices = @transform_2, window_bounds = array<i64: 1024, 1>}, {transform_indices = @transform_3, window_bounds = array<i64: 1024, 1024>}]} {
    %get3A = arith.constant 0 : index
    %get3A_0 = arith.constant 0 : index
    %get3A_1 = vector.load %arg3[%get3A, %get3A_0] : memref<1024x1xf32, #tpu.memory_space<vmem>>, vector<1024x1xf32>
    %get3A_2 = arith.constant 0 : index
    %get3A_3 = arith.constant 0 : index
    %get3A_4 = vector.load %arg1[%get3A_2, %get3A_3] : memref<1024x512xf32, #tpu.memory_space<vmem>>, vector<1024x512xf32>
    %bitcast_convert_type3A = tpu.bitcast %get3A_4 : vector<1024x512xf32> -> vector<1024x512xi32>
    %shift_right_logical3A = arith.constant 16 : i32
    %shift_right_logical3A_5 = vector.broadcast %shift_right_logical3A : i32 to vector<1024x512xi32>
    %shift_right_logical3A_6 = arith.shrui %bitcast_convert_type3A, %shift_right_logical3A_5 : vector<1024x512xi32>
    %convert_element_type3A = arith.trunci %shift_right_logical3A_6 : vector<1024x512xi32> to vector<1024x512xi16>
    %bitcast_convert_type3A_7 = tpu.bitcast %convert_element_type3A : vector<1024x512xi16> -> vector<1024x512xbf16>
    %convert_element_type3A_8 = arith.trunci %bitcast_convert_type3A : vector<1024x512xi32> to vector<1024x512xi16>
    %bitcast_convert_type3A_9 = tpu.bitcast %convert_element_type3A_8 : vector<1024x512xi16> -> vector<1024x512xbf16>
    %concatenate3A = tpu.concatenate %bitcast_convert_type3A_7, %bitcast_convert_type3A_9 in 1 : vector<1024x512xbf16>, vector<1024x512xbf16> -> vector<1024x1024xbf16>
    %convert_element_type3A_10 = arith.extf %concatenate3A : vector<1024x1024xbf16> to vector<1024x1024xf32>
    %get3A_11 = arith.constant 0 : index
    %get3A_12 = arith.constant 0 : index
    %get3A_13 = vector.load %arg2[%get3A_11, %get3A_12] : memref<1024x512xf32, #tpu.memory_space<vmem>>, vector<1024x512xf32>
    %bitcast_convert_type3A_14 = tpu.bitcast %get3A_13 : vector<1024x512xf32> -> vector<1024x512xi32>
    %shift_right_logical3A_15 = arith.constant 16 : i32
    %shift_right_logical3A_16 = vector.broadcast %shift_right_logical3A_15 : i32 to vector<1024x512xi32>
    %shift_right_logical3A_17 = arith.shrui %bitcast_convert_type3A_14, %shift_right_logical3A_16 : vector<1024x512xi32>
    %convert_element_type3A_18 = arith.trunci %shift_right_logical3A_17 : vector<1024x512xi32> to vector<1024x512xi16>
    %bitcast_convert_type3A_19 = tpu.bitcast %convert_element_type3A_18 : vector<1024x512xi16> -> vector<1024x512xbf16>
    %convert_element_type3A_20 = arith.trunci %bitcast_convert_type3A_14 : vector<1024x512xi32> to vector<1024x512xi16>
    %bitcast_convert_type3A_21 = tpu.bitcast %convert_element_type3A_20 : vector<1024x512xi16> -> vector<1024x512xbf16>
    %concatenate3A_22 = tpu.concatenate %bitcast_convert_type3A_19, %bitcast_convert_type3A_21 in 1 : vector<1024x512xbf16>, vector<1024x512xbf16> -> vector<1024x1024xbf16>
    %convert_element_type3A_23 = arith.extf %concatenate3A_22 : vector<1024x1024xbf16> to vector<1024x1024xf32>
    %gt3A = arith.constant 0.000000e+00 : f32
    %gt3A_24 = vector.broadcast %gt3A : f32 to vector<1024x1xf32>
    %gt3A_25 = arith.cmpf ogt, %get3A_1, %gt3A_24 : vector<1024x1xf32>
    %mul3A = vector.broadcast %get3A_1 : vector<1024x1xf32> to vector<1024x1024xf32>
    %mul3A_26 = arith.mulf %mul3A, %convert_element_type3A_23 : vector<1024x1024xf32>
    %jit3A = arith.constant 0.000000e+00 : f32
    %broadcast_in_dim3A = vector.shape_cast %gt3A_25 : vector<1024x1xi1> to vector<1024x1xi1>
    %broadcast_in_dim3A_27 = vector.broadcast %broadcast_in_dim3A : vector<1024x1xi1> to vector<1024x1024xi1>
    %broadcast_in_dim3A_28 = vector.broadcast %jit3A : f32 to vector<1024x1024xf32>
    %select_n3A = arith.select %broadcast_in_dim3A_27, %mul3A_26, %broadcast_in_dim3A_28 : vector<1024x1024xi1>, vector<1024x1024xf32>
    %add3A = arith.addf %convert_element_type3A_10, %select_n3A : vector<1024x1024xf32>
    %swap3A = arith.constant 0 : index
    %swap3A_29 = arith.constant 0 : index
    %swap3A_30 = vector.load %arg4[%swap3A, %swap3A_29] : memref<1024x1024xf32, #tpu.memory_space<vmem>>, vector<1024x1024xf32>
    tpu.vector_store %arg4[%swap3A, %swap3A_29], %add3A {strides = array<i32>} : memref<1024x1024xf32, #tpu.memory_space<vmem>>, vector<1024x1024xf32>,
    return
  }
  func.func @transform_0(%arg0: i32) -> (i32, i32) {
    %c0_i32 = arith.constant 0 : i32
    %c0_i32_0 = arith.constant 0 : i32
    return %arg0, %c0_i32 : i32, i32
  }
  func.func @transform_1(%arg0: i32) -> (i32, i32) {
    %c0_i32 = arith.constant 0 : i32
    %c0_i32_0 = arith.constant 0 : i32
    return %arg0, %c0_i32 : i32, i32
  }
  func.func @transform_2(%arg0: i32) -> (i32, i32) {
    %c0_i32 = arith.constant 0 : i32
    %c0_i32_0 = arith.constant 0 : i32
    return %arg0, %c0_i32 : i32, i32
  }
  func.func @transform_3(%arg0: i32) -> (i32, i32) {
    %c0_i32 = arith.constant 0 : i32
    %c0_i32_0 = arith.constant 0 : i32
    return %arg0, %c0_i32 : i32, i32
  }
}

</mosaic_0001>

<sc_bundles>
// kernel: kernel.10.cloned.1.call-start
scs
__scs_entry_jumppad:
0x0: {  	(pc) =	sbr.rel $0x88, $3  }
0x1: {  	(tag) =	ssettag $0x0;
	lr =	simm.s32 $0x1  }
0x2: {  	[smem:$0x3F9B] =	sst lr;
	_ =	strace $0xD0000000  }
0x3: {  	_ = 	snop  }
0x4: {  	_ = 	snop  }
0x5: {  	_ = 	snop  }
0x6: {  	_ = 	snop  }
0x7: {  	_ = 	snop  }
__scs_overlays_trampoline_lowered:
0x8: {  	[smem:$0x3FAA] =	sst s0  }
0x9: {  	[smem:$0x3FAB] =	sst s1  }
0xa: {  	[smem:$0x3FAC] =	sst s2  }
0xb: {  	[smem:$0x3FAD] =	sst s3  }
0xc: {  	[smem:$0x3FAE] =	sst s4  }
0xd: {  	[smem:$0x3FAF] =	sst s5  }
0xe: {  	[smem:$0x3FB0] =	sst s6  }
0xf: {  	[smem:$0x3FB1] =	sst s7  }
0x10: {  	[smem:$0x3FB2] =	sst s8  }
0x11: {  	[smem:$0x3FB3] =	sst s9;
	s0 =	simm.s32 @!p0 $0x0  }
0x12: {  	s1 =	sld [smem:$0x3F99];
	s0 =	simm.s32 @p0 $0x1  }
0x13: {  	[smem:$0x3FB4] =	sst s0;
	s0 =	simm.s32 @!p1 $0x0  }
0x14: {  	s2 =	sld [smem:$0x3F98];
	s0 =	simm.s32 @p1 $0x1  }
0x15: {  	[smem:$0x3FB5] =	sst s0;
	s0 =	simm.s32 @!p2 $0x0  }
0x16: {  	s3 =	sld [smem:$0x3FDB];
	s0 =	simm.s32 @p2 $0x1  }
0x17: {  	s4 =	simm.s32 $0x1BF5;
	[smem:$0x3FB7] =	sst s0  }
0x18: {  	s0 =	sld [smem:$0x3F9A];
	_ =	swait.ge [sflag:s4], $0x0  }
0x19: {  	s7 =	sld [smem:$0x3F9B]  }
0x1a: {  	s8 =	sadd.s32 $0xFFFFE003, lr  }
0x1b: {  	s9 =	sadd.s32 $0xFFFFFEF7, lr;
	s5 =	simm.s32 $0xFFFFFFFF;
	p2 =	slt.u32 s8, $0xFFFFF086  }
0x1c: {  	p1 =	slt.u32 s9, $0xF7A;
	s5 =	simm.s32 @!p2 $0x0  }
0x1d: {  	s5 =	simm.s32 @p1 $0x1;
	p0 =	seq.s32 s7, s2  }
0x1e: {  	s7 =	smul.u32 @!p0 $0xF7A, s2;
	p2 =	seq.s32 @!p0 s5, $0x0  }
0x1f: {  	s9 =	smul.u32 $0xF7A, s1;
	s8 =	simm.s32 @!p0 $0x1BF5;
	p2 =	por !p2, p0  }
0x20: {  	[sflag:s8] =	ssyncset.s32 @!p0 $0xFFFFF086;
	s6 =	sadd.s32 @!p0 s3, s7;
	s7 =	simm.s32 @!p0 $0x108  }
0x21: {  	s3 =	sadd.s32 s3, s9;
	s6 =	sadd.s32 @!p0 $0x88, s6;
	s7 =	simm.s32 @p2 $0x1082  }
0x22: {  	[simem:s7], [sflag:s8] =	dma.local @!p0 [hbm:s6], $0xF7A  }
0x23: {  	s9 =	sor.u32 $0xD0000000, s2;
	s6 =	simm.s32 $0x108;
	_ =	swait.ge @!p0 [sflag:s8], $0x0  }
0x24: {  	s3 =	sadd.s32 $0x88, s3;
	s6 =	simm.s32 @!p1 $0x1082;
	[sflag:s4] =	ssyncset.s32 $0xFFFFF086  }
0x25: {  	[simem:s6], [sflag:s4] =	dma.local [hbm:s3], $0xF7A  }
0x26: {  	[smem:$0x3F9B] =	sst s1;
	(tag) =	ssettag s2;
	_ =	strace s9  }
0x27: {  	s1 =	sld [smem:$0x3FAB]  }
0x28: {  	s2 =	sld [smem:$0x3FAC]  }
0x29: {  	s4 =	sld [smem:$0x3FAE]  }
0x2a: {  	p0 =	seq.s32 s5, $0x0;
	s5 =	sld [smem:$0x3FAF]  }
0x2b: {  	s6 =	sld [smem:$0x3FB0]  }
0x2c: {  	s7 =	sld [smem:$0x3FB1]  }
0x2d: {  	s3 =	simm.s32 $0x108;
	s8 =	sld [smem:$0x3FB2]  }
0x2e: {  	s3 =	simm.s32 @!p0 $0x1082;
	s9 =	sld [smem:$0x3FB3]  }
0x2f: {  	lr =	sadd.s32 s0, s3;
	s0 =	sld [smem:$0x3FAA]  }
0x30: {  	s3 =	sld [smem:$0x3FAD]  }
0x31: {  	[smem:$0x3FB6] =	sst s10  }
0x32: {  	s10 =	sld [smem:$0x3FB4];
	_ =	sdelay $0x3  }
0x33: {  	p0 =	seq.s32 s10, $0x1;
	s10 =	sld [smem:$0x3FB6];
	_ =	sdelay $0x3  }
0x34: {  	[smem:$0x3FB6] =	sst s10  }
0x35: {  	s10 =	sld [smem:$0x3FB5];
	_ =	sdelay $0x3  }
0x36: {  	p1 =	seq.s32 s10, $0x1;
	s10 =	sld [smem:$0x3FB6];
	_ =	sdelay $0x3  }
0x37: {  	[smem:$0x3FB6] =	sst s10  }
0x38: {  	s10 =	sld [smem:$0x3FB7]  }
0x39: {  	_ = 	snop;
	(pc) =	sbr.ind lr, $3  }
0x3a: {  	_ = 	snop  }
0x3b: {  	_ = 	snop  }
0x3c: {  	p2 =	seq.s32 s10, $0x1;
	s10 =	sld [smem:$0x3FB6]  }
0x3d: {  	_ =	shalt  }
0x3e: {  	_ =	shalt  }
0x3f: {  	_ =	shalt  }
0x40: {  	_ =	shalt  }
0x41: {  	_ =	shalt  }
0x42: {  	_ =	shalt  }
0x43: {  	_ =	shalt  }
0x44: {  	_ =	shalt  }
0x45: {  	_ =	shalt  }
0x46: {  	_ =	shalt  }
0x47: {  	_ =	shalt  }
0x48: {  	_ =	shalt  }
0x49: {  	_ =	shalt  }
0x4a: {  	_ =	shalt  }
0x4b: {  	_ =	shalt  }
0x4c: {  	_ =	shalt  }
0x4d: {  	_ =	shalt  }
0x4e: {  	_ =	shalt  }
0x4f: {  	_ =	shalt  }
0x50: {  	_ =	shalt  }
0x51: {  	_ =	shalt  }
0x52: {  	_ =	shalt  }
0x53: {  	_ =	shalt  }
0x54: {  	_ =	shalt  }
0x55: {  	_ =	shalt  }
0x56: {  	_ =	shalt  }
0x57: {  	_ =	shalt  }
0x58: {  	_ =	shalt  }
0x59: {  	_ =	shalt  }
0x5a: {  	_ =	shalt  }
0x5b: {  	_ =	shalt  }
0x5c: {  	_ =	shalt  }
0x5d: {  	_ =	shalt  }
0x5e: {  	_ =	shalt  }
0x5f: {  	_ =	shalt  }
0x60: {  	_ =	shalt  }
0x61: {  	_ =	shalt  }
0x62: {  	_ =	shalt  }
0x63: {  	_ =	shalt  }
0x64: {  	_ =	shalt  }
0x65: {  	_ =	shalt  }
0x66: {  	_ =	shalt  }
0x67: {  	_ =	shalt  }
0x68: {  	_ =	shalt  }
0x69: {  	_ =	shalt  }
0x6a: {  	_ =	shalt  }
0x6b: {  	_ =	shalt  }
0x6c: {  	_ =	shalt  }
0x6d: {  	_ =	shalt  }
0x6e: {  	_ =	shalt  }
0x6f: {  	_ =	shalt  }
0x70: {  	_ =	shalt  }
0x71: {  	_ =	shalt  }
0x72: {  	_ =	shalt  }
0x73: {  	_ =	shalt  }
0x74: {  	_ =	shalt  }
0x75: {  	_ =	shalt  }
0x76: {  	_ =	shalt  }
0x77: {  	_ =	shalt  }
0x78: {  	_ =	shalt  }
0x79: {  	_ =	shalt  }
0x7a: {  	_ =	shalt  }
0x7b: {  	_ =	shalt  }
0x7c: {  	_ =	shalt  }
0x7d: {  	_ =	shalt  }
0x7e: {  	_ =	shalt  }
0x7f: {  	_ =	shalt  }
0x80: {  	_ =	shalt  }
0x81: {  	_ =	shalt  }
0x82: {  	_ =	shalt  }
0x83: {  	_ =	shalt  }
0x84: {  	_ =	shalt  }
0x85: {  	_ =	shalt  }
0x86: {  	_ =	shalt  }
0x87: {  	_ =	shalt  }
.Lfunc_end0:
.L_simem_size_0:
called_computation.1_lowered:
.L_overlay_start_0:
0x88: {  	s2 =	sld [smem:$0x3FD9]  }
0x89: {  	s3 =	sld [smem:$0x3FFE];
	_ =	sdelay $0x1  }
0x8a: {  	s1 =	srdreg.scid  }
0x8b: {  	s0 =	sand.u32 $0x1, s1  }
0x8c: {  	s17 =	sshll.u32 s0, $0xA;
	s2 =	sadd.s32 s3, s2  }
0x8d: {  	s2 =	sadd.s32 s2, s17  }
0x8e: {  	[smem:$0x3FC2] =	sst s2  }
0x8f: {  	_ = 	snop  }
0x90: {  	s2 =	sld [smem:$0x3FD0];
	(tm) =	ssettm $0x1  }
0x91: {  	s18 =	sld [smem:$0x3FFB];
	_ =	sdelay $0x3  }
0x92: {  	_ =	strace s18  }
0x93: {  	s3 =	sld [smem:$0x3FFC];
	_ =	sdelay $0x3  }
0x94: {  	_ =	strace s3  }
0x95: {  	s3 =	sld [smem:$0x3FFD];
	_ =	sdelay $0x3  }
0x96: {  	_ =	strace s3  }
0x97: {  	_ =	strace $0x8FFFFFFF  }
0x98: {  	s19 =	sld [smem:$0x3FDB];
	_ =	sdelay $0x1  }
0x99: {  	s4 =	simm.s32 $_scs_section_size  }
0x9a: {  	s5 =	simm.s32 $_size__tile_overlayer_lowered;
	s6 =	simm.s32 $_tile_overlayer_lowered  }
0x9b: {  	s22 =	simm.s32 $0x1BFF;
	s21 =	sshll.u32 s6, $0x1;
	s3 =	sadd.s32 s4, s19  }
0x9c: {  	s7 =	simm.s32 $0x0;
	s20 =	sshll.u32 s5, $0x1;
	s5 =	sadd.s32 s21, s3  }
0x9d: {  	[timem:s7], [sflag:s22] =	dma.local [hbm:s5], s20  }
0x9e: {  	_ =	swait.ge [sflag:s22], s20  }
0x9f: {  	s4 =	ssub.s32 $0x0, s20;
	[sflag:s22] =	ssyncset.done $0x0  }
0xa0: {  	[sflag:s22] =	ssyncadd.s32 s4;
	_ =	sdelay $0x1  }
0xa1: {  	s23 =	simm.s32 $0x1B8B  }
0xa2: {  	_ =	swait.ge [sflag:s23], $0x1  }
0xa3: {  	[sflag:s23] =	ssyncset.done $0x0  }
0xa4: {  	s25 =	simm.s32 $0x1B8E;
	s24 =	sld [smem:$0x3FFE];
	[sflag:s23] =	ssyncadd.s32 $0xFFFFFFFF  }
0xa5: {  	s26 =	simm.s32 $execute0_lowered;
	[smem:$0x3FD2] =	sst s25  }
0xa6: {  	s5 =	sshll.u32 s26, $0x1;
	_ =	strace $0x80000049;
	[dreg:$0x1] =	wrdreg $0xFFFFFFFF  }
0xa7: {  	s28 =	simm.s32 $_size_execute0_lowered;
	s3 =	sadd.s32 s3, s5;
	[dreg:$0x0] =	wrdreg $0x0  }
0xa8: {  	s5 =	sshll.u32 s28, $0x1;
	[dreg:$0x2] =	wrdreg s3  }
0xa9: {  	[dreg:$0x3] =	wrdreg s5  }
0xaa: {  	[dreg:$0x4] =	wrdreg $0xC0  }
0xab: {  	_ =	task [dreg:s7], $0x5FFFF  }
0xac: {  	[dreg:$0x1] =	wrdreg $0xFFFFFFFF  }
0xad: {  	[dreg:$0x0] =	wrdreg $0x60  }
0xae: {  	[dreg:$0x2] =	wrdreg s2  }
0xaf: {  	[dreg:$0x3] =	wrdreg s24  }
0xb0: {  	[dreg:$0x4] =	wrdreg $0x9  }
0xb1: {  	_ =	task.clear_ibuf [dreg:s7], $0x5FFFF;
	_ =	strace $0x90000049  }
0xb2: {  	s29 =	simm.s32 $0x9;
	_ =	strace $0x8000004B  }
0xb3: {  	_ =	swait.ge [sflag:s29], $0x1  }
0xb4: {  	[sflag:s29] =	ssyncadd.s32 $0xFFFFFFFF  }
0xb5: {  	_ =	strace $0x9000004B  }
0xb6: {  	_ =	sfence  }
0xb7: {  	s30 =	sld [smem:$0x0];
	_ =	sdelay $0x2  }
0xb8: {  	s31 =	sshll.u32 s1, $0xD;
	s1 =	sshrl.u32 s1, $0x2  }
0xb9: {  	s3 =	sand.u32 $0x4000, s31;
	s1 =	sadd.s32 s1, s30  }
0xba: {  	s0 =	sor.u32 s3, s0;
	s1 =	sshll.u32 s1, $0x11  }
0xbb: {  	s0 =	sor.u32 s1, s0  }
0xbc: {  	s0 =	sadd.s32 $0x8F2B, s0  }
0xbd: {  	[sflag:s0] =	ssyncadd.remote.s32 $0x1  }
0xbe: {  	_ =	sfence.sel $0xFFFF  }
0xbf: {  	[dreg:$0x0] =	wrdreg $0xFFFFFFFF;
	(pc) =	sbr.abs _section_cstart, $3  }
0xc0: {  	[dreg:$0x1] =	wrdreg $0xFFFFFFFF  }
0xc1: {  	_ =	task.clear_ibuf [dreg:s7], $0x2FFFF;
	_ =	strace $0x9FFFFFFF  }
0xc2: {  	(tm) =	ssettm $0x7FFFFFFF  }
0xc3: {  	_ =	shalt  }
tec
execute0_lowered:
.L_overlay_start_1:
0x0: {  	(tag) =	ssettag $0x1  }
0x1: {  	s1 =	rddreg [dreg:$0x0]  }
0x2: {  	s0 =	srdreg.scid;
	s2 =	rddreg [dreg:$0x1];
	s3 =	simm.s32 $0x0  }
0x3: {  	s7 =	stileid.u32;
	s15 =	simm.s32 $0x2;
	s16 =	simm.s32 $0x3  }
0x4: {  	s17 =	simm.s32 $0x4;
	s19 =	simm.s32 $0xA00;
	s20 =	simm.s32 $0x1200  }
0x5: {  	s21 =	simm.s32 $0x1A00;
	s22 =	simm.s32 $0x2200;
	s28 =	simm.s32 $0x3A00  }
0x6: {  	s29 =	simm.s32 $0x4200;
	s30 =	simm.s32 $0x4A00;
	s31 =	simm.s32 $0x5200  }
0x7: {  	s8 =	simm.s32 $0x6A00;
	s9 =	simm.s32 $0x7200;
	s10 =	simm.s32 $0x7A00  }
0x8: {  	s11 =	simm.s32 $0x8A00;
	s12 =	simm.s32 $0x9200;
	s13 =	simm.s32 $0x9A00  }
0x9: {  	s14 =	simm.s32 $0xA200;
	s0 =	sand.u32 $0x1, s0;
	s5 =	sshll.u32 s7, $0xF  }
0xa: {  	s7 =	sshll.u32 s7, $0x7;
	[smem:$0x7FF] =	sst s3;
	s4 =	sshll.u32 s0, $0x6  }
0xb: {  	s6 =	sshll.u32 s0, $0xE;
	_ =	strace $0x8000004A;
	s4 =	sadd.s32 s4, s2  }
0xc: {  	s0 =	ssub.s32 $0x2, s0;
	s5 =	sor.u32 s6, s5;
	s4 =	sadd.s32 s7, s4  }
0xd: {  	s24 =	sshrl.u32 s0, $0x1;
	s2 =	sadd.s32 s5, s2;
	s4 =	sadd.s32 $0xA1400, s4  }
0xe: {  	s6 =	simm.s32 $0x5A00;
	s23 =	sadd.s32 $0xA1C00, s2;
	[dreg:$0x3] =	wrdreg s4  }
0xf: {  	s0 =	ssub.s32 s0, s24;
	s25 =	sadd.s32 $0xA2C00, s2;
	[dreg:$0x4] =	wrdreg s23  }
0x10: {  	s24 =	simm.s32 $0x200;
	s26 =	sadd.s32 $0xA3C00, s2;
	[dreg:$0x5] =	wrdreg s25  }
0x11: {  	v2 =	vlaneseq.u32;
	s2 =	sadd.s32 $0xA4C00, s2;
	s5 =	smax.u32 s0, $0x1;
	[dreg:$0x6] =	wrdreg s26  }
0x12: {  	vm0 =	vmmov $0xffff;
	v1 =	vshrl.u32 v2, $0x3;
	s4 =	sadd.s32 $0x100, s1;
	[dreg:$0x7] =	wrdreg s2;
	s25 =	simm.s32 $0x2A00  }
0x13: {  	v0 =	vand.u32 $0x7, v2;
	v2 =	vor.u32 $0x8, v2;
	v1 =	vmul.u32 $0x8, v1;
	s26 =	simm.s32 $0x3200;
	s2 =	simm.s32 $0x6200;
	s23 =	simm.s32 $0x8200  }
.LBB2_1:
0x14: {  	s18 =	rddreg [dreg:$0x3];
	s0 =	simm.s32 $0x5  }
0x15: {  	[tilespmem:s3], [sflag:$0x5] =	stream.linear.gather [hbm4b:s18+s3], $0x200, $0x38;
	[tilespmem:$0x10200] =	vst v63  }
0x16: {  	_ =	swait.ge [sflag:s0], $0x200  }
0x17: {  	[sflag:s0] =	ssyncset.done $0x0  }
0x18: {  	[sflag:s0] =	ssyncadd.s32 $0xFFFFFE00  }
0x19: {  	v3 =	vld [tilespmem:$0x0];
	_ =	sdelay $0x4  }
0x1a: {  	v4 =	vshll.u32 v3, $0x2  }
0x1b: {  	v3 =	vand.u32 $0x7, v3;
	v4 =	vand.u32 $0xFFFFFFE0, v4  }
0x1c: {  	v3 =	vor.u32 v3, v4  }
0x1d: {  	v4 =	vperm.xlane v3, v0;
	_ =	sdelay $0x1  }
0x1e: {  	v4 =	vadd.s32 v1, v4;
	_ =	sdelay $0x1  }
0x1f: {  	v3 =	vperm.xlane v3, v2;
	_ =	sdelay $0x1  }
0x20: {  	v3 =	vadd.s32 v1, v3  }
0x21: {  	[tilespmem:s24], [sflag:$0x1] =	stream.indirect_vreg.gather [hbm4b:s1+s3], $0x80, v4, vm0, $0xb8;
	[tilespmem:$0x10200] =	vst v63  }
0x22: {  	_ = 	snop  }
0x23: {  	[tilespmem:s19], [sflag:$0x1] =	stream.indirect_vreg.gather [hbm4b:s4+s3], $0x80, v4, vm0, $0xb8;
	[tilespmem:$0x10200] =	vst v63  }
0x24: {  	_ = 	snop  }
0x25: {  	[tilespmem:s20], [sflag:$0x1] =	stream.indirect_vreg.gather [hbm4b:s1+s3], $0x80, v3, vm0, $0xb8;
	[tilespmem:$0x10200] =	vst v63  }
0x26: {  	_ = 	snop  }
0x27: {  	[tilespmem:s21], [sflag:$0x1] =	stream.indirect_vreg.gather [hbm4b:s4+s3], $0x80, v3, vm0, $0xb8;
	[tilespmem:$0x10200] =	vst v63  }
0x28: {  	v3 =	vld [tilespmem:$0x10];
	_ =	sdelay $0x4  }
0x29: {  	v49 =	vshll.u32 v3, $0x2  }
0x2a: {  	v3 =	vand.u32 $0x7, v3;
	v4 =	vand.u32 $0xFFFFFFE0, v49  }
0x2b: {  	v3 =	vor.u32 v3, v4  }
0x2c: {  	v4 =	vperm.xlane v3, v0;
	_ =	sdelay $0x1  }
0x2d: {  	v4 =	vadd.s32 v1, v4;
	_ =	sdelay $0x1  }
0x2e: {  	v3 =	vperm.xlane v3, v2;
	_ =	sdelay $0x1  }
0x2f: {  	v3 =	vadd.s32 v1, v3  }
0x30: {  	[tilespmem:s22], [sflag:$0x1] =	stream.indirect_vreg.gather [hbm4b:s1+s3], $0x80, v4, vm0, $0xb8;
	[tilespmem:$0x10200] =	vst v63  }
0x31: {  	_ = 	snop  }
0x32: {  	[tilespmem:s25], [sflag:$0x1] =	stream.indirect_vreg.gather [hbm4b:s4+s3], $0x80, v4, vm0, $0xb8;
	[tilespmem:$0x10200] =	vst v63  }
0x33: {  	_ = 	snop  }
0x34: {  	[tilespmem:s26], [sflag:$0x1] =	stream.indirect_vreg.gather [hbm4b:s1+s3], $0x80, v3, vm0, $0xb8;
	[tilespmem:$0x10200] =	vst v63  }
0x35: {  	_ = 	snop  }
0x36: {  	[tilespmem:s28], [sflag:$0x1] =	stream.indirect_vreg.gather [hbm4b:s4+s3], $0x80, v3, vm0, $0xb8;
	[tilespmem:$0x10200] =	vst v63  }
0x37: {  	v3 =	vld [tilespmem:$0x20];
	_ =	sdelay $0x4  }
0x38: {  	v50 =	vshll.u32 v3, $0x2  }
0x39: {  	v3 =	vand.u32 $0x7, v3;
	v4 =	vand.u32 $0xFFFFFFE0, v50  }
0x3a: {  	v3 =	vor.u32 v3, v4  }
0x3b: {  	v4 =	vperm.xlane v3, v0;
	_ =	sdelay $0x1  }
0x3c: {  	v4 =	vadd.s32 v1, v4;
	_ =	sdelay $0x1  }
0x3d: {  	v3 =	vperm.xlane v3, v2;
	_ =	sdelay $0x1  }
0x3e: {  	v3 =	vadd.s32 v1, v3  }
0x3f: {  	[tilespmem:s29], [sflag:$0x1] =	stream.indirect_vreg.gather [hbm4b:s1+s3], $0x80, v4, vm0, $0xb8;
	[tilespmem:$0x10200] =	vst v63  }
0x40: {  	_ = 	snop  }
0x41: {  	[tilespmem:s30], [sflag:$0x1] =	stream.indirect_vreg.gather [hbm4b:s4+s3], $0x80, v4, vm0, $0xb8;
	[tilespmem:$0x10200] =	vst v63  }
0x42: {  	_ = 	snop  }
0x43: {  	[tilespmem:s31], [sflag:$0x1] =	stream.indirect_vreg.gather [hbm4b:s1+s3], $0x80, v3, vm0, $0xb8;
	[tilespmem:$0x10200] =	vst v63  }
0x44: {  	_ = 	snop  }
0x45: {  	[tilespmem:s6], [sflag:$0x1] =	stream.indirect_vreg.gather [hbm4b:s4+s3], $0x80, v3, vm0, $0xb8;
	[tilespmem:$0x10200] =	vst v63  }
0x46: {  	v3 =	vld [tilespmem:$0x30];
	_ =	sdelay $0x4  }
0x47: {  	v51 =	vshll.u32 v3, $0x2  }
0x48: {  	v3 =	vand.u32 $0x7, v3;
	v4 =	vand.u32 $0xFFFFFFE0, v51  }
0x49: {  	v3 =	vor.u32 v3, v4  }
0x4a: {  	v4 =	vperm.xlane v3, v0;
	_ =	sdelay $0x1  }
0x4b: {  	v4 =	vadd.s32 v1, v4;
	_ =	sdelay $0x1  }
0x4c: {  	v3 =	vperm.xlane v3, v2;
	_ =	sdelay $0x1  }
0x4d: {  	v3 =	vadd.s32 v1, v3  }
0x4e: {  	[tilespmem:s2], [sflag:$0x1] =	stream.indirect_vreg.gather [hbm4b:s1+s3], $0x80, v4, vm0, $0xb8;
	[tilespmem:$0x10200] =	vst v63  }
0x4f: {  	_ = 	snop  }
0x50: {  	[tilespmem:s8], [sflag:$0x1] =	stream.indirect_vreg.gather [hbm4b:s4+s3], $0x80, v4, vm0, $0xb8;
	[tilespmem:$0x10200] =	vst v63  }
0x51: {  	_ = 	snop  }
0x52: {  	[tilespmem:s9], [sflag:$0x1] =	stream.indirect_vreg.gather [hbm4b:s1+s3], $0x80, v3, vm0, $0xb8;
	[tilespmem:$0x10200] =	vst v63  }
0x53: {  	s0 =	simm.s32 $0x1  }
0x54: {  	[tilespmem:s10], [sflag:$0x1] =	stream.indirect_vreg.gather [hbm4b:s4+s3], $0x80, v3, vm0, $0xb8;
	[tilespmem:$0x10200] =	vst v63  }
0x55: {  	_ =	swait.ge [sflag:s0], $0x8000  }
0x56: {  	[sflag:s0] =	ssyncset.done $0x0  }
0x57: {  	s7 =	rddreg [dreg:$0x4];
	[sflag:s0] =	ssyncadd.s32 $0xFFFF8000  }
0x58: {  	[hbm4b:s7+s3] =	stream.linear.scatter [tilespmem:s24], [sflag:$0x3], $0x8000, $0x38;
	[tilespmem:$0x10200] =	vst v63  }
0x59: {  	v3 =	vld [tilespmem:$0x80];
	_ =	sdelay $0x4  }
0x5a: {  	v52 =	vshll.u32 v3, $0x2  }
0x5b: {  	v3 =	vand.u32 $0x7, v3;
	v4 =	vand.u32 $0xFFFFFFE0, v52  }
0x5c: {  	v3 =	vor.u32 v3, v4  }
0x5d: {  	v4 =	vperm.xlane v3, v0;
	_ =	sdelay $0x1  }
0x5e: {  	v4 =	vadd.s32 v1, v4;
	_ =	sdelay $0x1  }
0x5f: {  	v3 =	vperm.xlane v3, v2;
	_ =	sdelay $0x1  }
0x60: {  	v3 =	vadd.s32 v1, v3  }
0x61: {  	[tilespmem:s23], [sflag:$0x2] =	stream.indirect_vreg.gather [hbm4b:s1+s3], $0x80, v4, vm0, $0xb8;
	[tilespmem:$0x10200] =	vst v63  }
0x62: {  	_ = 	snop  }
0x63: {  	[tilespmem:s11], [sflag:$0x2] =	stream.indirect_vreg.gather [hbm4b:s4+s3], $0x80, v4, vm0, $0xb8;
	[tilespmem:$0x10200] =	vst v63  }
0x64: {  	_ = 	snop  }
0x65: {  	[tilespmem:s12], [sflag:$0x2] =	stream.indirect_vreg.gather [hbm4b:s1+s3], $0x80, v3, vm0, $0xb8;
	[tilespmem:$0x10200] =	vst v63  }
0x66: {  	_ = 	snop  }
0x67: {  	[tilespmem:s13], [sflag:$0x2] =	stream.indirect_vreg.gather [hbm4b:s4+s3], $0x80, v3, vm0, $0xb8;
	[tilespmem:$0x10200] =	vst v63  }
0x68: {  	v3 =	vld [tilespmem:$0x90];
	_ =	sdelay $0x4  }
0x69: {  	v53 =	vshll.u32 v3, $0x2  }
0x6a: {  	v3 =	vand.u32 $0x7, v3;
	v4 =	vand.u32 $0xFFFFFFE0, v53  }
0x6b: {  	v3 =	vor.u32 v3, v4  }
0x6c: {  	v4 =	vperm.xlane v3, v0;
	_ =	sdelay $0x1  }
0x6d: {  	v4 =	vadd.s32 v1, v4;
	_ =	sdelay $0x1  }
0x6e: {  	v3 =	vperm.xlane v3, v2;
	_ =	sdelay $0x1  }
0x6f: {  	v3 =	vadd.s32 v1, v3  }
0x70: {  	[tilespmem:s14], [sflag:$0x2] =	stream.indirect_vreg.gather [hbm4b:s1+s3], $0x80, v4, vm0, $0xb8;
	[tilespmem:$0x10200] =	vst v63  }
0x71: {  	s7 =	simm.s32 $0xAA00  }
0x72: {  	[tilespmem:s7], [sflag:$0x2] =	stream.indirect_vreg.gather [hbm4b:s4+s3], $0x80, v4, vm0, $0xb8;
	[tilespmem:$0x10200] =	vst v63  }
0x73: {  	s7 =	simm.s32 $0xB200  }
0x74: {  	[tilespmem:s7], [sflag:$0x2] =	stream.indirect_vreg.gather [hbm4b:s1+s3], $0x80, v3, vm0, $0xb8;
	[tilespmem:$0x10200] =	vst v63  }
0x75: {  	s18 =	simm.s32 $0xBA00  }
0x76: {  	[tilespmem:s18], [sflag:$0x2] =	stream.indirect_vreg.gather [hbm4b:s4+s3], $0x80, v3, vm0, $0xb8;
	[tilespmem:$0x10200] =	vst v63  }
0x77: {  	v3 =	vld [tilespmem:$0xA0];
	_ =	sdelay $0x4  }
0x78: {  	v54 =	vshll.u32 v3, $0x2  }
0x79: {  	v3 =	vand.u32 $0x7, v3;
	v4 =	vand.u32 $0xFFFFFFE0, v54  }
0x7a: {  	v3 =	vor.u32 v3, v4  }
0x7b: {  	v4 =	vperm.xlane v3, v0;
	_ =	sdelay $0x1  }
0x7c: {  	v4 =	vadd.s32 v1, v4;
	_ =	sdelay $0x1  }
0x7d: {  	v3 =	vperm.xlane v3, v2;
	_ =	sdelay $0x1  }
0x7e: {  	s18 =	simm.s32 $0xC200;
	v3 =	vadd.s32 v1, v3  }
0x7f: {  	[tilespmem:s18], [sflag:$0x2] =	stream.indirect_vreg.gather [hbm4b:s1+s3], $0x80, v4, vm0, $0xb8;
	[tilespmem:$0x10200] =	vst v63  }
0x80: {  	s18 =	simm.s32 $0xCA00  }
0x81: {  	[tilespmem:s18], [sflag:$0x2] =	stream.indirect_vreg.gather [hbm4b:s4+s3], $0x80, v4, vm0, $0xb8;
	[tilespmem:$0x10200] =	vst v63  }
0x82: {  	s18 =	simm.s32 $0xD200  }
0x83: {  	[tilespmem:s18], [sflag:$0x2] =	stream.indirect_vreg.gather [hbm4b:s1+s3], $0x80, v3, vm0, $0xb8;
	[tilespmem:$0x10200] =	vst v63  }
0x84: {  	s18 =	simm.s32 $0xDA00  }
0x85: {  	[tilespmem:s18], [sflag:$0x2] =	stream.indirect_vreg.gather [hbm4b:s4+s3], $0x80, v3, vm0, $0xb8;
	[tilespmem:$0x10200] =	vst v63  }
0x86: {  	v3 =	vld [tilespmem:$0xB0];
	_ =	sdelay $0x4  }
0x87: {  	v55 =	vshll.u32 v3, $0x2  }
0x88: {  	v3 =	vand.u32 $0x7, v3;
	v4 =	vand.u32 $0xFFFFFFE0, v55  }
0x89: {  	v3 =	vor.u32 v3, v4  }
0x8a: {  	v4 =	vperm.xlane v3, v0;
	_ =	sdelay $0x1  }
0x8b: {  	v4 =	vadd.s32 v1, v4;
	_ =	sdelay $0x1  }
0x8c: {  	v3 =	vperm.xlane v3, v2;
	_ =	sdelay $0x1  }
0x8d: {  	s18 =	simm.s32 $0xE200;
	v3 =	vadd.s32 v1, v3  }
0x8e: {  	[tilespmem:s18], [sflag:$0x2] =	stream.indirect_vreg.gather [hbm4b:s1+s3], $0x80, v4, vm0, $0xb8;
	[tilespmem:$0x10200] =	vst v63  }
0x8f: {  	s18 =	simm.s32 $0xEA00  }
0x90: {  	[tilespmem:s18], [sflag:$0x2] =	stream.indirect_vreg.gather [hbm4b:s4+s3], $0x80, v4, vm0, $0xb8;
	[tilespmem:$0x10200] =	vst v63  }
0x91: {  	s18 =	simm.s32 $0xF200  }
0x92: {  	[tilespmem:s18], [sflag:$0x2] =	stream.indirect_vreg.gather [hbm4b:s1+s3], $0x80, v3, vm0, $0xb8;
	[tilespmem:$0x10200] =	vst v63  }
0x93: {  	s18 =	simm.s32 $0xFA00  }
0x94: {  	[tilespmem:s18], [sflag:$0x2] =	stream.indirect_vreg.gather [hbm4b:s4+s3], $0x80, v3, vm0, $0xb8;
	[tilespmem:$0x10200] =	vst v63  }
0x95: {  	_ =	swait.ge [sflag:s15], $0x8000  }
0x96: {  	[sflag:s15] =	ssyncset.done $0x0  }
0x97: {  	s18 =	rddreg [dreg:$0x5];
	[sflag:s15] =	ssyncadd.s32 $0xFFFF8000  }
0x98: {  	[hbm4b:s18+s3] =	stream.linear.scatter [tilespmem:s23], [sflag:$0x4], $0x8000, $0x38;
	[tilespmem:$0x10200] =	vst v63  }
0x99: {  	_ =	swait.ge [sflag:s16], $0x8000  }
0x9a: {  	[sflag:s16] =	ssyncset.done $0x0  }
0x9b: {  	[sflag:s16] =	ssyncadd.s32 $0xFFFF8000  }
0x9c: {  	v3 =	vld [tilespmem:$0x100];
	_ =	sdelay $0x4  }
0x9d: {  	v56 =	vshll.u32 v3, $0x2  }
0x9e: {  	v3 =	vand.u32 $0x7, v3;
	v4 =	vand.u32 $0xFFFFFFE0, v56  }
0x9f: {  	v3 =	vor.u32 v3, v4  }
0xa0: {  	v4 =	vperm.xlane v3, v0;
	_ =	sdelay $0x1  }
0xa1: {  	v4 =	vadd.s32 v1, v4;
	_ =	sdelay $0x1  }
0xa2: {  	v3 =	vperm.xlane v3, v2;
	_ =	sdelay $0x1  }
0xa3: {  	v3 =	vadd.s32 v1, v3  }
0xa4: {  	[tilespmem:s24], [sflag:$0x1] =	stream.indirect_vreg.gather [hbm4b:s1+s3], $0x80, v4, vm0, $0xb8;
	[tilespmem:$0x10200] =	vst v63  }
0xa5: {  	_ = 	snop  }
0xa6: {  	[tilespmem:s19], [sflag:$0x1] =	stream.indirect_vreg.gather [hbm4b:s4+s3], $0x80, v4, vm0, $0xb8;
	[tilespmem:$0x10200] =	vst v63  }
0xa7: {  	_ = 	snop  }
0xa8: {  	[tilespmem:s20], [sflag:$0x1] =	stream.indirect_vreg.gather [hbm4b:s1+s3], $0x80, v3, vm0, $0xb8;
	[tilespmem:$0x10200] =	vst v63  }
0xa9: {  	_ = 	snop  }
0xaa: {  	[tilespmem:s21], [sflag:$0x1] =	stream.indirect_vreg.gather [hbm4b:s4+s3], $0x80, v3, vm0, $0xb8;
	[tilespmem:$0x10200] =	vst v63  }
0xab: {  	v3 =	vld [tilespmem:$0x110];
	_ =	sdelay $0x4  }
0xac: {  	v57 =	vshll.u32 v3, $0x2  }
0xad: {  	v3 =	vand.u32 $0x7, v3;
	v4 =	vand.u32 $0xFFFFFFE0, v57  }
0xae: {  	v3 =	vor.u32 v3, v4  }
0xaf: {  	v4 =	vperm.xlane v3, v0;
	_ =	sdelay $0x1  }
0xb0: {  	v4 =	vadd.s32 v1, v4;
	_ =	sdelay $0x1  }
0xb1: {  	v3 =	vperm.xlane v3, v2;
	_ =	sdelay $0x1  }
0xb2: {  	v3 =	vadd.s32 v1, v3  }
0xb3: {  	[tilespmem:s22], [sflag:$0x1] =	stream.indirect_vreg.gather [hbm4b:s1+s3], $0x80, v4, vm0, $0xb8;
	[tilespmem:$0x10200] =	vst v63  }
0xb4: {  	_ = 	snop  }
0xb5: {  	[tilespmem:s25], [sflag:$0x1] =	stream.indirect_vreg.gather [hbm4b:s4+s3], $0x80, v4, vm0, $0xb8;
	[tilespmem:$0x10200] =	vst v63  }
0xb6: {  	_ = 	snop  }
0xb7: {  	[tilespmem:s26], [sflag:$0x1] =	stream.indirect_vreg.gather [hbm4b:s1+s3], $0x80, v3, vm0, $0xb8;
	[tilespmem:$0x10200] =	vst v63  }
0xb8: {  	_ = 	snop  }
0xb9: {  	[tilespmem:s28], [sflag:$0x1] =	stream.indirect_vreg.gather [hbm4b:s4+s3], $0x80, v3, vm0, $0xb8;
	[tilespmem:$0x10200] =	vst v63  }
0xba: {  	v3 =	vld [tilespmem:$0x120];
	_ =	sdelay $0x4  }
0xbb: {  	v58 =	vshll.u32 v3, $0x2  }
0xbc: {  	v3 =	vand.u32 $0x7, v3;
	v4 =	vand.u32 $0xFFFFFFE0, v58  }
0xbd: {  	v3 =	vor.u32 v3, v4  }
0xbe: {  	v4 =	vperm.xlane v3, v0;
	_ =	sdelay $0x1  }
0xbf: {  	v4 =	vadd.s32 v1, v4;
	_ =	sdelay $0x1  }
0xc0: {  	v3 =	vperm.xlane v3, v2;
	_ =	sdelay $0x1  }
0xc1: {  	v3 =	vadd.s32 v1, v3  }
0xc2: {  	[tilespmem:s29], [sflag:$0x1] =	stream.indirect_vreg.gather [hbm4b:s1+s3], $0x80, v4, vm0, $0xb8;
	[tilespmem:$0x10200] =	vst v63  }
0xc3: {  	_ = 	snop  }
0xc4: {  	[tilespmem:s30], [sflag:$0x1] =	stream.indirect_vreg.gather [hbm4b:s4+s3], $0x80, v4, vm0, $0xb8;
	[tilespmem:$0x10200] =	vst v63  }
0xc5: {  	_ = 	snop  }
0xc6: {  	[tilespmem:s31], [sflag:$0x1] =	stream.indirect_vreg.gather [hbm4b:s1+s3], $0x80, v3, vm0, $0xb8;
	[tilespmem:$0x10200] =	vst v63  }
0xc7: {  	_ = 	snop  }
0xc8: {  	[tilespmem:s6], [sflag:$0x1] =	stream.indirect_vreg.gather [hbm4b:s4+s3], $0x80, v3, vm0, $0xb8;
	[tilespmem:$0x10200] =	vst v63  }
0xc9: {  	v3 =	vld [tilespmem:$0x130];
	_ =	sdelay $0x4  }
0xca: {  	v59 =	vshll.u32 v3, $0x2  }
0xcb: {  	v3 =	vand.u32 $0x7, v3;
	v4 =	vand.u32 $0xFFFFFFE0, v59  }
0xcc: {  	v3 =	vor.u32 v3, v4  }
0xcd: {  	v4 =	vperm.xlane v3, v0;
	_ =	sdelay $0x1  }
0xce: {  	v4 =	vadd.s32 v1, v4;
	_ =	sdelay $0x1  }
0xcf: {  	v3 =	vperm.xlane v3, v2;
	_ =	sdelay $0x1  }
0xd0: {  	v3 =	vadd.s32 v1, v3  }
0xd1: {  	[tilespmem:s2], [sflag:$0x1] =	stream.indirect_vreg.gather [hbm4b:s1+s3], $0x80, v4, vm0, $0xb8;
	[tilespmem:$0x10200] =	vst v63  }
0xd2: {  	_ = 	snop  }
0xd3: {  	[tilespmem:s8], [sflag:$0x1] =	stream.indirect_vreg.gather [hbm4b:s4+s3], $0x80, v4, vm0, $0xb8;
	[tilespmem:$0x10200] =	vst v63  }
0xd4: {  	_ = 	snop  }
0xd5: {  	[tilespmem:s9], [sflag:$0x1] =	stream.indirect_vreg.gather [hbm4b:s1+s3], $0x80, v3, vm0, $0xb8;
	[tilespmem:$0x10200] =	vst v63  }
0xd6: {  	_ = 	snop  }
0xd7: {  	[tilespmem:s10], [sflag:$0x1] =	stream.indirect_vreg.gather [hbm4b:s4+s3], $0x80, v3, vm0, $0xb8;
	[tilespmem:$0x10200] =	vst v63  }
0xd8: {  	_ =	swait.ge [sflag:s0], $0x8000  }
0xd9: {  	[sflag:s0] =	ssyncset.done $0x0  }
0xda: {  	s18 =	rddreg [dreg:$0x6];
	[sflag:s0] =	ssyncadd.s32 $0xFFFF8000  }
0xdb: {  	[hbm4b:s18+s3] =	stream.linear.scatter [tilespmem:s24], [sflag:$0x3], $0x8000, $0x38;
	[tilespmem:$0x10200] =	vst v63  }
0xdc: {  	_ =	swait.ge [sflag:s17], $0x8000  }
0xdd: {  	[sflag:s17] =	ssyncset.done $0x0  }
0xde: {  	[sflag:s17] =	ssyncadd.s32 $0xFFFF8000  }
0xdf: {  	v3 =	vld [tilespmem:$0x180];
	_ =	sdelay $0x4  }
0xe0: {  	v60 =	vshll.u32 v3, $0x2  }
0xe1: {  	v3 =	vand.u32 $0x7, v3;
	v4 =	vand.u32 $0xFFFFFFE0, v60  }
0xe2: {  	v3 =	vor.u32 v3, v4  }
0xe3: {  	v4 =	vperm.xlane v3, v0;
	_ =	sdelay $0x1  }
0xe4: {  	v4 =	vadd.s32 v1, v4;
	_ =	sdelay $0x1  }
0xe5: {  	v3 =	vperm.xlane v3, v2;
	_ =	sdelay $0x1  }
0xe6: {  	v3 =	vadd.s32 v1, v3  }
0xe7: {  	[tilespmem:s23], [sflag:$0x2] =	stream.indirect_vreg.gather [hbm4b:s1+s3], $0x80, v4, vm0, $0xb8;
	[tilespmem:$0x10200] =	vst v63  }
0xe8: {  	_ = 	snop  }
0xe9: {  	[tilespmem:s11], [sflag:$0x2] =	stream.indirect_vreg.gather [hbm4b:s4+s3], $0x80, v4, vm0, $0xb8;
	[tilespmem:$0x10200] =	vst v63  }
0xea: {  	_ = 	snop  }
0xeb: {  	[tilespmem:s12], [sflag:$0x2] =	stream.indirect_vreg.gather [hbm4b:s1+s3], $0x80, v3, vm0, $0xb8;
	[tilespmem:$0x10200] =	vst v63  }
0xec: {  	_ = 	snop  }
0xed: {  	[tilespmem:s13], [sflag:$0x2] =	stream.indirect_vreg.gather [hbm4b:s4+s3], $0x80, v3, vm0, $0xb8;
	[tilespmem:$0x10200] =	vst v63  }
0xee: {  	v3 =	vld [tilespmem:$0x190];
	_ =	sdelay $0x4  }
0xef: {  	v61 =	vshll.u32 v3, $0x2  }
0xf0: {  	v3 =	vand.u32 $0x7, v3;
	v4 =	vand.u32 $0xFFFFFFE0, v61  }
0xf1: {  	v3 =	vor.u32 v3, v4  }
0xf2: {  	v4 =	vperm.xlane v3, v0;
	_ =	sdelay $0x1  }
0xf3: {  	v4 =	vadd.s32 v1, v4;
	_ =	sdelay $0x1  }
0xf4: {  	v3 =	vperm.xlane v3, v2;
	_ =	sdelay $0x1  }
0xf5: {  	v3 =	vadd.s32 v1, v3  }
0xf6: {  	[tilespmem:s14], [sflag:$0x2] =	stream.indirect_vreg.gather [hbm4b:s1+s3], $0x80, v4, vm0, $0xb8;
	[tilespmem:$0x10200] =	vst v63  }
0xf7: {  	s18 =	simm.s32 $0xAA00  }
0xf8: {  	[tilespmem:s18], [sflag:$0x2] =	stream.indirect_vreg.gather [hbm4b:s4+s3], $0x80, v4, vm0, $0xb8;
	[tilespmem:$0x10200] =	vst v63  }
0xf9: {  	_ = 	snop  }
0xfa: {  	[tilespmem:s7], [sflag:$0x2] =	stream.indirect_vreg.gather [hbm4b:s1+s3], $0x80, v3, vm0, $0xb8;
	[tilespmem:$0x10200] =	vst v63  }
0xfb: {  	s18 =	simm.s32 $0xBA00  }
0xfc: {  	[tilespmem:s18], [sflag:$0x2] =	stream.indirect_vreg.gather [hbm4b:s4+s3], $0x80, v3, vm0, $0xb8;
	[tilespmem:$0x10200] =	vst v63  }
0xfd: {  	v3 =	vld [tilespmem:$0x1A0];
	_ =	sdelay $0x4  }
0xfe: {  	v62 =	vshll.u32 v3, $0x2  }
0xff: {  	v3 =	vand.u32 $0x7, v3;
	v4 =	vand.u32 $0xFFFFFFE0, v62  }
0x100: {  	v3 =	vor.u32 v3, v4  }
0x101: {  	v4 =	vperm.xlane v3, v0;
	_ =	sdelay $0x1  }
0x102: {  	v4 =	vadd.s32 v1, v4;
	_ =	sdelay $0x1  }
0x103: {  	v3 =	vperm.xlane v3, v2;
	_ =	sdelay $0x1  }
0x104: {  	s7 =	simm.s32 $0xC200;
	v3 =	vadd.s32 v1, v3  }
0x105: {  	[tilespmem:s7], [sflag:$0x2] =	stream.indirect_vreg.gather [hbm4b:s1+s3], $0x80, v4, vm0, $0xb8;
	[tilespmem:$0x10200] =	vst v63  }
0x106: {  	s18 =	simm.s32 $0xCA00  }
0x107: {  	[tilespmem:s18], [sflag:$0x2] =	stream.indirect_vreg.gather [hbm4b:s4+s3], $0x80, v4, vm0, $0xb8;
	[tilespmem:$0x10200] =	vst v63  }
0x108: {  	s7 =	simm.s32 $0xD200  }
0x109: {  	[tilespmem:s7], [sflag:$0x2] =	stream.indirect_vreg.gather [hbm4b:s1+s3], $0x80, v3, vm0, $0xb8;
	[tilespmem:$0x10200] =	vst v63  }
0x10a: {  	s18 =	simm.s32 $0xDA00  }
0x10b: {  	[tilespmem:s18], [sflag:$0x2] =	stream.indirect_vreg.gather [hbm4b:s4+s3], $0x80, v3, vm0, $0xb8;
	[tilespmem:$0x10200] =	vst v63  }
0x10c: {  	v3 =	vld [tilespmem:$0x1B0];
	_ =	sdelay $0x4  }
0x10d: {  	v63 =	vshll.u32 v3, $0x2  }
0x10e: {  	v3 =	vand.u32 $0x7, v3;
	v4 =	vand.u32 $0xFFFFFFE0, v63  }
0x10f: {  	v3 =	vor.u32 v3, v4  }
0x110: {  	v4 =	vperm.xlane v3, v0;
	_ =	sdelay $0x1  }
0x111: {  	v4 =	vadd.s32 v1, v4;
	_ =	sdelay $0x1  }
0x112: {  	v3 =	vperm.xlane v3, v2;
	_ =	sdelay $0x1  }
0x113: {  	s7 =	simm.s32 $0xE200;
	v3 =	vadd.s32 v1, v3  }
0x114: {  	[tilespmem:s7], [sflag:$0x2] =	stream.indirect_vreg.gather [hbm4b:s1+s3], $0x80, v4, vm0, $0xb8;
	[tilespmem:$0x10200] =	vst v63  }
0x115: {  	s18 =	simm.s32 $0xEA00  }
0x116: {  	[tilespmem:s18], [sflag:$0x2] =	stream.indirect_vreg.gather [hbm4b:s4+s3], $0x80, v4, vm0, $0xb8;
	[tilespmem:$0x10200] =	vst v63  }
0x117: {  	s7 =	simm.s32 $0xF200  }
0x118: {  	[tilespmem:s7], [sflag:$0x2] =	stream.indirect_vreg.gather [hbm4b:s1+s3], $0x80, v3, vm0, $0xb8;
	[tilespmem:$0x10200] =	vst v63  }
0x119: {  	s18 =	simm.s32 $0xFA00  }
0x11a: {  	[tilespmem:s18], [sflag:$0x2] =	stream.indirect_vreg.gather [hbm4b:s4+s3], $0x80, v3, vm0, $0xb8;
	[tilespmem:$0x10200] =	vst v63  }
0x11b: {  	_ =	swait.ge [sflag:s15], $0x8000  }
0x11c: {  	[sflag:s15] =	ssyncset.done $0x0  }
0x11d: {  	s7 =	rddreg [dreg:$0x7];
	[sflag:s15] =	ssyncadd.s32 $0xFFFF8000  }
0x11e: {  	[hbm4b:s7+s3] =	stream.linear.scatter [tilespmem:s23], [sflag:$0x4], $0x8000, $0x38;
	[tilespmem:$0x10200] =	vst v63  }
0x11f: {  	p0 =	sne.s32 s5, $0x1;
	_ =	swait.ge [sflag:s16], $0x8000  }
.Ltmp0:
0x120: {  	[sflag:s16] =	ssyncset.done $0x0;
	(pc) =	sbr.rel @p0 .LBB2_1-.Ltmp0, $4  }
0x121: {  	[sflag:s16] =	ssyncadd.s32 $0xFFFF8000  }
0x122: {  	_ =	swait.ge [sflag:s17], $0x8000  }
0x123: {  	[sflag:s17] =	ssyncset.done $0x0  }
0x124: {  	s5 =	sadd.s32 $0xFFFFFFFF, s5;
	[sflag:s17] =	ssyncadd.s32 $0xFFFF8000  }
0x125: {  	_ =	sfence.sel $0x180000  }
0x126: {  	[bflag:$0x0] =	sbarrier.arrive $0xFFFF  }
0x127: {  	_ =	strace $0x9000004A  }
0x128: {  	s0 =	stileid.u32;
	[bflag:$0x2] =	sbarrier.arrive $0xFFFF  }
0x129: {  	p0 =	sne.s32 s0, $0x0;
	s0 =	rddreg [dreg:$0x2]  }
0x12a: {  	s0 =	sadd.s32 @!p0 $0x100000, s0  }
0x12b: {  	[sflag:s0] =	ssyncadd.tile.s32 @!p0 $0x1;
	_ =	shalt  }
.Lfunc_end2:
_tile_overlayer_lowered:
.L_overlay_start_2:
0x12c: {  	(tag) =	ssettag $0x2  }
0x12d: {  	s0 =	rddreg [dreg:$0x0];
	s2 =	stileid.u32  }
0x12e: {  	s1 =	rddreg [dreg:$0x1];
	p0 =	sne.s32 s2, $0x0  }
0x12f: {  	s3 =	rddreg [dreg:$0x2];
	[bflag:$0x3] =	sbarrier.arrive $0xFFFF;
	s2 =	simm.s32 @!p0 $0x1C05  }
0x130: {  	[timem:s3], [sflag:s2] =	dma.local @!p0 [hbm:s0], s1  }
0x131: {  	s0 =	simm.s32 @!p0 $0x5  }
0x132: {  	_ =	swait.ge @!p0 [sflag:s0], s1  }
0x133: {  	s1 =	ssub.s32 @!p0 $0x0, s1;
	[sflag:s0] =	ssyncset.done @!p0 $0x0  }
0x134: {  	[sflag:s0] =	ssyncadd.s32 @!p0 s1  }
0x135: {  	[bflag:$0x3] =	sbarrier.arrive $0xFFFF  }
0x136: {  	_ =	shalt  }

// kernel: kernel.7.cloned.1.call-start
scs
__scs_entry_jumppad:
0x0: {  	(pc) =	sbr.rel $0x88, $3  }
0x1: {  	(tag) =	ssettag $0x0;
	lr =	simm.s32 $0x1  }
0x2: {  	[smem:$0x3F9B] =	sst lr;
	_ =	strace $0xD0000000  }
0x3: {  	_ = 	snop  }
0x4: {  	_ = 	snop  }
0x5: {  	_ = 	snop  }
0x6: {  	_ = 	snop  }
0x7: {  	_ = 	snop  }
__scs_overlays_trampoline_lowered:
0x8: {  	[smem:$0x3FAA] =	sst s0  }
0x9: {  	[smem:$0x3FAB] =	sst s1  }
0xa: {  	[smem:$0x3FAC] =	sst s2  }
0xb: {  	[smem:$0x3FAD] =	sst s3  }
0xc: {  	[smem:$0x3FAE] =	sst s4  }
0xd: {  	[smem:$0x3FAF] =	sst s5  }
0xe: {  	[smem:$0x3FB0] =	sst s6  }
0xf: {  	[smem:$0x3FB1] =	sst s7  }
0x10: {  	[smem:$0x3FB2] =	sst s8  }
0x11: {  	[smem:$0x3FB3] =	sst s9;
	s0 =	simm.s32 @!p0 $0x0  }
0x12: {  	s1 =	sld [smem:$0x3F99];
	s0 =	simm.s32 @p0 $0x1  }
0x13: {  	[smem:$0x3FB4] =	sst s0;
	s0 =	simm.s32 @!p1 $0x0  }
0x14: {  	s2 =	sld [smem:$0x3F98];
	s0 =	simm.s32 @p1 $0x1  }
0x15: {  	[smem:$0x3FB5] =	sst s0;
	s0 =	simm.s32 @!p2 $0x0  }
0x16: {  	s3 =	sld [smem:$0x3FDB];
	s0 =	simm.s32 @p2 $0x1  }
0x17: {  	s4 =	simm.s32 $0x1BF5;
	[smem:$0x3FB7] =	sst s0  }
0x18: {  	s0 =	sld [smem:$0x3F9A];
	_ =	swait.ge [sflag:s4], $0x0  }
0x19: {  	s7 =	sld [smem:$0x3F9B]  }
0x1a: {  	s8 =	sadd.s32 $0xFFFFE003, lr  }
0x1b: {  	s9 =	sadd.s32 $0xFFFFFEF7, lr;
	s5 =	simm.s32 $0xFFFFFFFF;
	p2 =	slt.u32 s8, $0xFFFFF086  }
0x1c: {  	p1 =	slt.u32 s9, $0xF7A;
	s5 =	simm.s32 @!p2 $0x0  }
0x1d: {  	s5 =	simm.s32 @p1 $0x1;
	p0 =	seq.s32 s7, s2  }
0x1e: {  	s7 =	smul.u32 @!p0 $0xF7A, s2;
	p2 =	seq.s32 @!p0 s5, $0x0  }
0x1f: {  	s9 =	smul.u32 $0xF7A, s1;
	s8 =	simm.s32 @!p0 $0x1BF5;
	p2 =	por !p2, p0  }
0x20: {  	[sflag:s8] =	ssyncset.s32 @!p0 $0xFFFFF086;
	s6 =	sadd.s32 @!p0 s3, s7;
	s7 =	simm.s32 @!p0 $0x108  }
0x21: {  	s3 =	sadd.s32 s3, s9;
	s6 =	sadd.s32 @!p0 $0x88, s6;
	s7 =	simm.s32 @p2 $0x1082  }
0x22: {  	[simem:s7], [sflag:s8] =	dma.local @!p0 [hbm:s6], $0xF7A  }
0x23: {  	s9 =	sor.u32 $0xD0000000, s2;
	s6 =	simm.s32 $0x108;
	_ =	swait.ge @!p0 [sflag:s8], $0x0  }
0x24: {  	s3 =	sadd.s32 $0x88, s3;
	s6 =	simm.s32 @!p1 $0x1082;
	[sflag:s4] =	ssyncset.s32 $0xFFFFF086  }
0x25: {  	[simem:s6], [sflag:s4] =	dma.local [hbm:s3], $0xF7A  }
0x26: {  	[smem:$0x3F9B] =	sst s1;
	(tag) =	ssettag s2;
	_ =	strace s9  }
0x27: {  	s1 =	sld [smem:$0x3FAB]  }
0x28: {  	s2 =	sld [smem:$0x3FAC]  }
0x29: {  	s4 =	sld [smem:$0x3FAE]  }
0x2a: {  	p0 =	seq.s32 s5, $0x0;
	s5 =	sld [smem:$0x3FAF]  }
0x2b: {  	s6 =	sld [smem:$0x3FB0]  }
0x2c: {  	s7 =	sld [smem:$0x3FB1]  }
0x2d: {  	s3 =	simm.s32 $0x108;
	s8 =	sld [smem:$0x3FB2]  }
0x2e: {  	s3 =	simm.s32 @!p0 $0x1082;
	s9 =	sld [smem:$0x3FB3]  }
0x2f: {  	lr =	sadd.s32 s0, s3;
	s0 =	sld [smem:$0x3FAA]  }
0x30: {  	s3 =	sld [smem:$0x3FAD]  }
0x31: {  	[smem:$0x3FB6] =	sst s10  }
0x32: {  	s10 =	sld [smem:$0x3FB4];
	_ =	sdelay $0x3  }
0x33: {  	p0 =	seq.s32 s10, $0x1;
	s10 =	sld [smem:$0x3FB6];
	_ =	sdelay $0x3  }
0x34: {  	[smem:$0x3FB6] =	sst s10  }
0x35: {  	s10 =	sld [smem:$0x3FB5];
	_ =	sdelay $0x3  }
0x36: {  	p1 =	seq.s32 s10, $0x1;
	s10 =	sld [smem:$0x3FB6];
	_ =	sdelay $0x3  }
0x37: {  	[smem:$0x3FB6] =	sst s10  }
0x38: {  	s10 =	sld [smem:$0x3FB7]  }
0x39: {  	_ = 	snop;
	(pc) =	sbr.ind lr, $3  }
0x3a: {  	_ = 	snop  }
0x3b: {  	_ = 	snop  }
0x3c: {  	p2 =	seq.s32 s10, $0x1;
	s10 =	sld [smem:$0x3FB6]  }
0x3d: {  	_ =	shalt  }
0x3e: {  	_ =	shalt  }
0x3f: {  	_ =	shalt  }
0x40: {  	_ =	shalt  }
0x41: {  	_ =	shalt  }
0x42: {  	_ =	shalt  }
0x43: {  	_ =	shalt  }
0x44: {  	_ =	shalt  }
0x45: {  	_ =	shalt  }
0x46: {  	_ =	shalt  }
0x47: {  	_ =	shalt  }
0x48: {  	_ =	shalt  }
0x49: {  	_ =	shalt  }
0x4a: {  	_ =	shalt  }
0x4b: {  	_ =	shalt  }
0x4c: {  	_ =	shalt  }
0x4d: {  	_ =	shalt  }
0x4e: {  	_ =	shalt  }
0x4f: {  	_ =	shalt  }
0x50: {  	_ =	shalt  }
0x51: {  	_ =	shalt  }
0x52: {  	_ =	shalt  }
0x53: {  	_ =	shalt  }
0x54: {  	_ =	shalt  }
0x55: {  	_ =	shalt  }
0x56: {  	_ =	shalt  }
0x57: {  	_ =	shalt  }
0x58: {  	_ =	shalt  }
0x59: {  	_ =	shalt  }
0x5a: {  	_ =	shalt  }
0x5b: {  	_ =	shalt  }
0x5c: {  	_ =	shalt  }
0x5d: {  	_ =	shalt  }
0x5e: {  	_ =	shalt  }
0x5f: {  	_ =	shalt  }
0x60: {  	_ =	shalt  }
0x61: {  	_ =	shalt  }
0x62: {  	_ =	shalt  }
0x63: {  	_ =	shalt  }
0x64: {  	_ =	shalt  }
0x65: {  	_ =	shalt  }
0x66: {  	_ =	shalt  }
0x67: {  	_ =	shalt  }
0x68: {  	_ =	shalt  }
0x69: {  	_ =	shalt  }
0x6a: {  	_ =	shalt  }
0x6b: {  	_ =	shalt  }
0x6c: {  	_ =	shalt  }
0x6d: {  	_ =	shalt  }
0x6e: {  	_ =	shalt  }
0x6f: {  	_ =	shalt  }
0x70: {  	_ =	shalt  }
0x71: {  	_ =	shalt  }
0x72: {  	_ =	shalt  }
0x73: {  	_ =	shalt  }
0x74: {  	_ =	shalt  }
0x75: {  	_ =	shalt  }
0x76: {  	_ =	shalt  }
0x77: {  	_ =	shalt  }
0x78: {  	_ =	shalt  }
0x79: {  	_ =	shalt  }
0x7a: {  	_ =	shalt  }
0x7b: {  	_ =	shalt  }
0x7c: {  	_ =	shalt  }
0x7d: {  	_ =	shalt  }
0x7e: {  	_ =	shalt  }
0x7f: {  	_ =	shalt  }
0x80: {  	_ =	shalt  }
0x81: {  	_ =	shalt  }
0x82: {  	_ =	shalt  }
0x83: {  	_ =	shalt  }
0x84: {  	_ =	shalt  }
0x85: {  	_ =	shalt  }
0x86: {  	_ =	shalt  }
0x87: {  	_ =	shalt  }
.Lfunc_end0:
.L_simem_size_0:
called_computation_lowered:
.L_overlay_start_0:
0x88: {  	s2 =	sld [smem:$0x3FD9]  }
0x89: {  	s3 =	sld [smem:$0x3FFE];
	_ =	sdelay $0x1  }
0x8a: {  	s1 =	srdreg.scid  }
0x8b: {  	s0 =	sand.u32 $0x1, s1  }
0x8c: {  	s17 =	sshll.u32 s0, $0xA;
	s2 =	sadd.s32 s3, s2  }
0x8d: {  	s2 =	sadd.s32 s2, s17  }
0x8e: {  	[smem:$0x3FC2] =	sst s2  }
0x8f: {  	_ = 	snop  }
0x90: {  	s2 =	sld [smem:$0x3FD0];
	(tm) =	ssettm $0x1  }
0x91: {  	s18 =	sld [smem:$0x3FFB];
	_ =	sdelay $0x3  }
0x92: {  	_ =	strace s18  }
0x93: {  	s3 =	sld [smem:$0x3FFC];
	_ =	sdelay $0x3  }
0x94: {  	_ =	strace s3  }
0x95: {  	s3 =	sld [smem:$0x3FFD];
	_ =	sdelay $0x3  }
0x96: {  	_ =	strace s3  }
0x97: {  	_ =	strace $0x8FFFFFFF  }
0x98: {  	s19 =	sld [smem:$0x3FDB];
	_ =	sdelay $0x1  }
0x99: {  	s4 =	simm.s32 $_scs_section_size  }
0x9a: {  	s5 =	simm.s32 $_size__tile_overlayer_lowered;
	s6 =	simm.s32 $_tile_overlayer_lowered  }
0x9b: {  	s22 =	simm.s32 $0x1BFF;
	s21 =	sshll.u32 s6, $0x1;
	s3 =	sadd.s32 s4, s19  }
0x9c: {  	s7 =	simm.s32 $0x0;
	s20 =	sshll.u32 s5, $0x1;
	s5 =	sadd.s32 s21, s3  }
0x9d: {  	[timem:s7], [sflag:s22] =	dma.local [hbm:s5], s20  }
0x9e: {  	_ =	swait.ge [sflag:s22], s20  }
0x9f: {  	s4 =	ssub.s32 $0x0, s20;
	[sflag:s22] =	ssyncset.done $0x0  }
0xa0: {  	[sflag:s22] =	ssyncadd.s32 s4;
	_ =	sdelay $0x1  }
0xa1: {  	s23 =	simm.s32 $0x1B8B  }
0xa2: {  	_ =	swait.ge [sflag:s23], $0x1  }
0xa3: {  	[sflag:s23] =	ssyncset.done $0x0  }
0xa4: {  	s25 =	simm.s32 $0x1B8E;
	s24 =	sld [smem:$0x3FFE];
	[sflag:s23] =	ssyncadd.s32 $0xFFFFFFFF  }
0xa5: {  	s26 =	simm.s32 $execute0_lowered;
	[smem:$0x3FD2] =	sst s25  }
0xa6: {  	s5 =	sshll.u32 s26, $0x1;
	_ =	strace $0x80000046;
	[dreg:$0x1] =	wrdreg $0xFFFFFFFF  }
0xa7: {  	s28 =	simm.s32 $_size_execute0_lowered;
	s3 =	sadd.s32 s3, s5;
	[dreg:$0x0] =	wrdreg $0x0  }
0xa8: {  	s5 =	sshll.u32 s28, $0x1;
	[dreg:$0x2] =	wrdreg s3  }
0xa9: {  	[dreg:$0x3] =	wrdreg s5  }
0xaa: {  	[dreg:$0x4] =	wrdreg $0xC0  }
0xab: {  	_ =	task [dreg:s7], $0x5FFFF  }
0xac: {  	[dreg:$0x1] =	wrdreg $0xFFFFFFFF  }
0xad: {  	[dreg:$0x0] =	wrdreg $0x60  }
0xae: {  	[dreg:$0x2] =	wrdreg s24  }
0xaf: {  	[dreg:$0x3] =	wrdreg s2  }
0xb0: {  	[dreg:$0x4] =	wrdreg $0x9  }
0xb1: {  	_ =	task.clear_ibuf [dreg:s7], $0x5FFFF;
	_ =	strace $0x90000046  }
0xb2: {  	s29 =	simm.s32 $0x9;
	_ =	strace $0x80000048  }
0xb3: {  	_ =	swait.ge [sflag:s29], $0x1  }
0xb4: {  	[sflag:s29] =	ssyncadd.s32 $0xFFFFFFFF  }
0xb5: {  	_ =	strace $0x90000048  }
0xb6: {  	_ =	sfence  }
0xb7: {  	s30 =	sld [smem:$0x0];
	_ =	sdelay $0x2  }
0xb8: {  	s31 =	sshll.u32 s1, $0xD;
	s1 =	sshrl.u32 s1, $0x2  }
0xb9: {  	s3 =	sand.u32 $0x4000, s31;
	s1 =	sadd.s32 s1, s30  }
0xba: {  	s0 =	sor.u32 s3, s0;
	s1 =	sshll.u32 s1, $0x11  }
0xbb: {  	s0 =	sor.u32 s1, s0  }
0xbc: {  	s0 =	sadd.s32 $0x8F2B, s0  }
0xbd: {  	[sflag:s0] =	ssyncadd.remote.s32 $0x1  }
0xbe: {  	_ =	sfence.sel $0xFFFF  }
0xbf: {  	[dreg:$0x0] =	wrdreg $0xFFFFFFFF;
	(pc) =	sbr.abs _section_cstart, $3  }
0xc0: {  	[dreg:$0x1] =	wrdreg $0xFFFFFFFF  }
0xc1: {  	_ =	task.clear_ibuf [dreg:s7], $0x2FFFF;
	_ =	strace $0x9FFFFFFF  }
0xc2: {  	(tm) =	ssettm $0x7FFFFFFF  }
0xc3: {  	_ =	shalt  }
tec
execute0_lowered:
.L_overlay_start_1:
0x0: {  	(tag) =	ssettag $0x1  }
0x1: {  	s0 =	rddreg [dreg:$0x0]  }
0x2: {  	s2 =	rddreg [dreg:$0x1]  }
0x3: {  	s1 =	srdreg.scid;
	s7 =	stileid.u32  }
0x4: {  	s3 =	simm.s32 $0x0;
	s17 =	simm.s32 $0x3;
	s18 =	simm.s32 $0x4  }
0x5: {  	s20 =	simm.s32 $0xA00;
	s21 =	simm.s32 $0x1200;
	s28 =	simm.s32 $0x3200  }
0x6: {  	s29 =	simm.s32 $0x3A00;
	s30 =	simm.s32 $0x4200;
	s31 =	simm.s32 $0x4A00  }
0x7: {  	s9 =	simm.s32 $0x6200;
	s10 =	simm.s32 $0x6A00;
	s11 =	simm.s32 $0x7200  }
0x8: {  	s12 =	simm.s32 $0x7A00;
	s8 =	simm.s32 $0x8200;
	s13 =	simm.s32 $0x8A00  }
0x9: {  	s14 =	simm.s32 $0x9200;
	s15 =	simm.s32 $0x9A00;
	s16 =	simm.s32 $0xA200  }
0xa: {  	s1 =	sand.u32 $0x1, s1;
	s4 =	sshll.u32 s7, $0xF;
	s7 =	sshll.u32 s7, $0x7  }
0xb: {  	[smem:$0x7FF] =	sst s3;
	s5 =	sshll.u32 s1, $0x6;
	s6 =	sshll.u32 s1, $0xE  }
0xc: {  	_ =	strace $0x80000047;
	s1 =	ssub.s32 $0x2, s1;
	s5 =	sadd.s32 s5, s0  }
0xd: {  	s4 =	sor.u32 s6, s4;
	s24 =	sshrl.u32 s1, $0x1;
	s5 =	sadd.s32 s7, s5  }
0xe: {  	s6 =	simm.s32 $0x5200;
	s0 =	sadd.s32 s4, s0;
	s22 =	sadd.s32 $0xA0C00, s5  }
0xf: {  	s1 =	ssub.s32 s1, s24;
	s23 =	sadd.s32 $0xC00, s0;
	[dreg:$0x3] =	wrdreg s22  }
0x10: {  	s4 =	sadd.s32 $0x100, s2;
	s25 =	sadd.s32 $0x1C00, s0;
	[dreg:$0x4] =	wrdreg s23  }
0x11: {  	s24 =	simm.s32 $0x200;
	s26 =	sadd.s32 $0x2C00, s0;
	[dreg:$0x5] =	wrdreg s25  }
0x12: {  	v2 =	vlaneseq.u32;
	s0 =	sadd.s32 $0x3C00, s0;
	s5 =	smax.u32 s1, $0x1;
	[dreg:$0x6] =	wrdreg s26  }
0x13: {  	vm0 =	vmmov $0xffff;
	v1 =	vshrl.u32 v2, $0x3;
	s1 =	simm.s32 $0x5A00;
	[dreg:$0x7] =	wrdreg s0;
	s25 =	simm.s32 $0x1  }
0x14: {  	v0 =	vand.u32 $0x7, v2;
	v2 =	vor.u32 $0x8, v2;
	v1 =	vmul.u32 $0x8, v1;
	s22 =	simm.s32 $0x1A00;
	s23 =	simm.s32 $0x2200;
	s26 =	simm.s32 $0x2A00  }
.LBB2_1:
0x15: {  	s19 =	rddreg [dreg:$0x3];
	s0 =	simm.s32 $0x5  }
0x16: {  	[tilespmem:s3], [sflag:$0x5] =	stream.linear.gather [hbm4b:s19+s3], $0x200, $0x38;
	[tilespmem:$0x10200] =	vst v63  }
0x17: {  	_ =	swait.ge [sflag:s0], $0x200  }
0x18: {  	[sflag:s0] =	ssyncset.done $0x0  }
0x19: {  	s7 =	rddreg [dreg:$0x4];
	[sflag:s0] =	ssyncadd.s32 $0xFFFFFE00  }
0x1a: {  	[tilespmem:s24], [sflag:$0x1] =	stream.linear.gather [hbm4b:s7+s3], $0x8000, $0x38;
	[tilespmem:$0x10200] =	vst v63  }
0x1b: {  	_ =	swait.ge [sflag:s25], $0x8000  }
0x1c: {  	[sflag:s25] =	ssyncset.done $0x0  }
0x1d: {  	[sflag:s25] =	ssyncadd.s32 $0xFFFF8000  }
0x1e: {  	v3 =	vld [tilespmem:$0x0];
	_ =	sdelay $0x4  }
0x1f: {  	v4 =	vshll.u32 v3, $0x2  }
0x20: {  	v3 =	vand.u32 $0x7, v3;
	v4 =	vand.u32 $0xFFFFFFE0, v4  }
0x21: {  	v3 =	vor.u32 v3, v4  }
0x22: {  	v4 =	vperm.xlane v3, v0;
	_ =	sdelay $0x1  }
0x23: {  	v4 =	vadd.s32 v1, v4;
	_ =	sdelay $0x1  }
0x24: {  	v3 =	vperm.xlane v3, v2;
	_ =	sdelay $0x1  }
0x25: {  	v3 =	vadd.s32 v1, v3  }
0x26: {  	[hbm4b:s2+s3] =	stream.indirect_vreg.scatter [tilespmem:s24], [sflag:$0x3], $0x80, v4, vm0, $0xb8;
	[tilespmem:$0x10200] =	vst v63  }
0x27: {  	_ = 	snop  }
0x28: {  	[hbm4b:s4+s3] =	stream.indirect_vreg.scatter [tilespmem:s20], [sflag:$0x3], $0x80, v4, vm0, $0xb8;
	[tilespmem:$0x10200] =	vst v63  }
0x29: {  	_ = 	snop  }
0x2a: {  	[hbm4b:s2+s3] =	stream.indirect_vreg.scatter [tilespmem:s21], [sflag:$0x3], $0x80, v3, vm0, $0xb8;
	[tilespmem:$0x10200] =	vst v63  }
0x2b: {  	_ = 	snop  }
0x2c: {  	[hbm4b:s4+s3] =	stream.indirect_vreg.scatter [tilespmem:s22], [sflag:$0x3], $0x80, v3, vm0, $0xb8;
	[tilespmem:$0x10200] =	vst v63  }
0x2d: {  	v3 =	vld [tilespmem:$0x10];
	_ =	sdelay $0x4  }
0x2e: {  	v49 =	vshll.u32 v3, $0x2  }
0x2f: {  	v3 =	vand.u32 $0x7, v3;
	v4 =	vand.u32 $0xFFFFFFE0, v49  }
0x30: {  	v3 =	vor.u32 v3, v4  }
0x31: {  	v4 =	vperm.xlane v3, v0;
	_ =	sdelay $0x1  }
0x32: {  	v4 =	vadd.s32 v1, v4;
	_ =	sdelay $0x1  }
0x33: {  	v3 =	vperm.xlane v3, v2;
	_ =	sdelay $0x1  }
0x34: {  	v3 =	vadd.s32 v1, v3  }
0x35: {  	[hbm4b:s2+s3] =	stream.indirect_vreg.scatter [tilespmem:s23], [sflag:$0x3], $0x80, v4, vm0, $0xb8;
	[tilespmem:$0x10200] =	vst v63  }
0x36: {  	_ = 	snop  }
0x37: {  	[hbm4b:s4+s3] =	stream.indirect_vreg.scatter [tilespmem:s26], [sflag:$0x3], $0x80, v4, vm0, $0xb8;
	[tilespmem:$0x10200] =	vst v63  }
0x38: {  	_ = 	snop  }
0x39: {  	[hbm4b:s2+s3] =	stream.indirect_vreg.scatter [tilespmem:s28], [sflag:$0x3], $0x80, v3, vm0, $0xb8;
	[tilespmem:$0x10200] =	vst v63  }
0x3a: {  	_ = 	snop  }
0x3b: {  	[hbm4b:s4+s3] =	stream.indirect_vreg.scatter [tilespmem:s29], [sflag:$0x3], $0x80, v3, vm0, $0xb8;
	[tilespmem:$0x10200] =	vst v63  }
0x3c: {  	v3 =	vld [tilespmem:$0x20];
	_ =	sdelay $0x4  }
0x3d: {  	v50 =	vshll.u32 v3, $0x2  }
0x3e: {  	v3 =	vand.u32 $0x7, v3;
	v4 =	vand.u32 $0xFFFFFFE0, v50  }
0x3f: {  	v3 =	vor.u32 v3, v4  }
0x40: {  	v4 =	vperm.xlane v3, v0;
	_ =	sdelay $0x1  }
0x41: {  	v4 =	vadd.s32 v1, v4;
	_ =	sdelay $0x1  }
0x42: {  	v3 =	vperm.xlane v3, v2;
	_ =	sdelay $0x1  }
0x43: {  	v3 =	vadd.s32 v1, v3  }
0x44: {  	[hbm4b:s2+s3] =	stream.indirect_vreg.scatter [tilespmem:s30], [sflag:$0x3], $0x80, v4, vm0, $0xb8;
	[tilespmem:$0x10200] =	vst v63  }
0x45: {  	_ = 	snop  }
0x46: {  	[hbm4b:s4+s3] =	stream.indirect_vreg.scatter [tilespmem:s31], [sflag:$0x3], $0x80, v4, vm0, $0xb8;
	[tilespmem:$0x10200] =	vst v63  }
0x47: {  	_ = 	snop  }
0x48: {  	[hbm4b:s2+s3] =	stream.indirect_vreg.scatter [tilespmem:s6], [sflag:$0x3], $0x80, v3, vm0, $0xb8;
	[tilespmem:$0x10200] =	vst v63  }
0x49: {  	_ = 	snop  }
0x4a: {  	[hbm4b:s4+s3] =	stream.indirect_vreg.scatter [tilespmem:s1], [sflag:$0x3], $0x80, v3, vm0, $0xb8;
	[tilespmem:$0x10200] =	vst v63  }
0x4b: {  	v3 =	vld [tilespmem:$0x30];
	_ =	sdelay $0x4  }
0x4c: {  	v51 =	vshll.u32 v3, $0x2  }
0x4d: {  	v3 =	vand.u32 $0x7, v3;
	v4 =	vand.u32 $0xFFFFFFE0, v51  }
0x4e: {  	v3 =	vor.u32 v3, v4  }
0x4f: {  	v4 =	vperm.xlane v3, v0;
	_ =	sdelay $0x1  }
0x50: {  	v4 =	vadd.s32 v1, v4;
	_ =	sdelay $0x1  }
0x51: {  	v3 =	vperm.xlane v3, v2;
	_ =	sdelay $0x1  }
0x52: {  	v3 =	vadd.s32 v1, v3  }
0x53: {  	[hbm4b:s2+s3] =	stream.indirect_vreg.scatter [tilespmem:s9], [sflag:$0x3], $0x80, v4, vm0, $0xb8;
	[tilespmem:$0x10200] =	vst v63  }
0x54: {  	_ = 	snop  }
0x55: {  	[hbm4b:s4+s3] =	stream.indirect_vreg.scatter [tilespmem:s10], [sflag:$0x3], $0x80, v4, vm0, $0xb8;
	[tilespmem:$0x10200] =	vst v63  }
0x56: {  	_ = 	snop  }
0x57: {  	[hbm4b:s2+s3] =	stream.indirect_vreg.scatter [tilespmem:s11], [sflag:$0x3], $0x80, v3, vm0, $0xb8;
	[tilespmem:$0x10200] =	vst v63  }
0x58: {  	_ = 	snop  }
0x59: {  	[hbm4b:s4+s3] =	stream.indirect_vreg.scatter [tilespmem:s12], [sflag:$0x3], $0x80, v3, vm0, $0xb8;
	[tilespmem:$0x10200] =	vst v63  }
0x5a: {  	s0 =	simm.s32 $0x2;
	s7 =	rddreg [dreg:$0x5]  }
0x5b: {  	[tilespmem:s8], [sflag:$0x2] =	stream.linear.gather [hbm4b:s7+s3], $0x8000, $0x38;
	[tilespmem:$0x10200] =	vst v63  }
0x5c: {  	_ =	swait.ge [sflag:s0], $0x8000  }
0x5d: {  	[sflag:s0] =	ssyncset.done $0x0  }
0x5e: {  	[sflag:s0] =	ssyncadd.s32 $0xFFFF8000  }
0x5f: {  	v3 =	vld [tilespmem:$0x80];
	_ =	sdelay $0x4  }
0x60: {  	v52 =	vshll.u32 v3, $0x2  }
0x61: {  	v3 =	vand.u32 $0x7, v3;
	v4 =	vand.u32 $0xFFFFFFE0, v52  }
0x62: {  	v3 =	vor.u32 v3, v4  }
0x63: {  	v4 =	vperm.xlane v3, v0;
	_ =	sdelay $0x1  }
0x64: {  	v4 =	vadd.s32 v1, v4;
	_ =	sdelay $0x1  }
0x65: {  	v3 =	vperm.xlane v3, v2;
	_ =	sdelay $0x1  }
0x66: {  	v3 =	vadd.s32 v1, v3  }
0x67: {  	[hbm4b:s2+s3] =	stream.indirect_vreg.scatter [tilespmem:s8], [sflag:$0x4], $0x80, v4, vm0, $0xb8;
	[tilespmem:$0x10200] =	vst v63  }
0x68: {  	_ = 	snop  }
0x69: {  	[hbm4b:s4+s3] =	stream.indirect_vreg.scatter [tilespmem:s13], [sflag:$0x4], $0x80, v4, vm0, $0xb8;
	[tilespmem:$0x10200] =	vst v63  }
0x6a: {  	_ = 	snop  }
0x6b: {  	[hbm4b:s2+s3] =	stream.indirect_vreg.scatter [tilespmem:s14], [sflag:$0x4], $0x80, v3, vm0, $0xb8;
	[tilespmem:$0x10200] =	vst v63  }
0x6c: {  	_ = 	snop  }
0x6d: {  	[hbm4b:s4+s3] =	stream.indirect_vreg.scatter [tilespmem:s15], [sflag:$0x4], $0x80, v3, vm0, $0xb8;
	[tilespmem:$0x10200] =	vst v63  }
0x6e: {  	v3 =	vld [tilespmem:$0x90];
	_ =	sdelay $0x4  }
0x6f: {  	v53 =	vshll.u32 v3, $0x2  }
0x70: {  	v3 =	vand.u32 $0x7, v3;
	v4 =	vand.u32 $0xFFFFFFE0, v53  }
0x71: {  	v3 =	vor.u32 v3, v4  }
0x72: {  	v4 =	vperm.xlane v3, v0;
	_ =	sdelay $0x1  }
0x73: {  	v4 =	vadd.s32 v1, v4;
	_ =	sdelay $0x1  }
0x74: {  	v3 =	vperm.xlane v3, v2;
	_ =	sdelay $0x1  }
0x75: {  	v3 =	vadd.s32 v1, v3  }
0x76: {  	[hbm4b:s2+s3] =	stream.indirect_vreg.scatter [tilespmem:s16], [sflag:$0x4], $0x80, v4, vm0, $0xb8;
	[tilespmem:$0x10200] =	vst v63  }
0x77: {  	s7 =	simm.s32 $0xAA00  }
0x78: {  	[hbm4b:s4+s3] =	stream.indirect_vreg.scatter [tilespmem:s7], [sflag:$0x4], $0x80, v4, vm0, $0xb8;
	[tilespmem:$0x10200] =	vst v63  }
0x79: {  	s7 =	simm.s32 $0xB200  }
0x7a: {  	[hbm4b:s2+s3] =	stream.indirect_vreg.scatter [tilespmem:s7], [sflag:$0x4], $0x80, v3, vm0, $0xb8;
	[tilespmem:$0x10200] =	vst v63  }
0x7b: {  	s19 =	simm.s32 $0xBA00  }
0x7c: {  	[hbm4b:s4+s3] =	stream.indirect_vreg.scatter [tilespmem:s19], [sflag:$0x4], $0x80, v3, vm0, $0xb8;
	[tilespmem:$0x10200] =	vst v63  }
0x7d: {  	v3 =	vld [tilespmem:$0xA0];
	_ =	sdelay $0x4  }
0x7e: {  	v54 =	vshll.u32 v3, $0x2  }
0x7f: {  	v3 =	vand.u32 $0x7, v3;
	v4 =	vand.u32 $0xFFFFFFE0, v54  }
0x80: {  	v3 =	vor.u32 v3, v4  }
0x81: {  	v4 =	vperm.xlane v3, v0;
	_ =	sdelay $0x1  }
0x82: {  	v4 =	vadd.s32 v1, v4;
	_ =	sdelay $0x1  }
0x83: {  	v3 =	vperm.xlane v3, v2;
	_ =	sdelay $0x1  }
0x84: {  	s19 =	simm.s32 $0xC200;
	v3 =	vadd.s32 v1, v3  }
0x85: {  	[hbm4b:s2+s3] =	stream.indirect_vreg.scatter [tilespmem:s19], [sflag:$0x4], $0x80, v4, vm0, $0xb8;
	[tilespmem:$0x10200] =	vst v63  }
0x86: {  	s19 =	simm.s32 $0xCA00  }
0x87: {  	[hbm4b:s4+s3] =	stream.indirect_vreg.scatter [tilespmem:s19], [sflag:$0x4], $0x80, v4, vm0, $0xb8;
	[tilespmem:$0x10200] =	vst v63  }
0x88: {  	s19 =	simm.s32 $0xD200  }
0x89: {  	[hbm4b:s2+s3] =	stream.indirect_vreg.scatter [tilespmem:s19], [sflag:$0x4], $0x80, v3, vm0, $0xb8;
	[tilespmem:$0x10200] =	vst v63  }
0x8a: {  	s19 =	simm.s32 $0xDA00  }
0x8b: {  	[hbm4b:s4+s3] =	stream.indirect_vreg.scatter [tilespmem:s19], [sflag:$0x4], $0x80, v3, vm0, $0xb8;
	[tilespmem:$0x10200] =	vst v63  }
0x8c: {  	v3 =	vld [tilespmem:$0xB0];
	_ =	sdelay $0x4  }
0x8d: {  	v55 =	vshll.u32 v3, $0x2  }
0x8e: {  	v3 =	vand.u32 $0x7, v3;
	v4 =	vand.u32 $0xFFFFFFE0, v55  }
0x8f: {  	v3 =	vor.u32 v3, v4  }
0x90: {  	v4 =	vperm.xlane v3, v0;
	_ =	sdelay $0x1  }
0x91: {  	v4 =	vadd.s32 v1, v4;
	_ =	sdelay $0x1  }
0x92: {  	v3 =	vperm.xlane v3, v2;
	_ =	sdelay $0x1  }
0x93: {  	s19 =	simm.s32 $0xE200;
	v3 =	vadd.s32 v1, v3  }
0x94: {  	[hbm4b:s2+s3] =	stream.indirect_vreg.scatter [tilespmem:s19], [sflag:$0x4], $0x80, v4, vm0, $0xb8;
	[tilespmem:$0x10200] =	vst v63  }
0x95: {  	s19 =	simm.s32 $0xEA00  }
0x96: {  	[hbm4b:s4+s3] =	stream.indirect_vreg.scatter [tilespmem:s19], [sflag:$0x4], $0x80, v4, vm0, $0xb8;
	[tilespmem:$0x10200] =	vst v63  }
0x97: {  	s19 =	simm.s32 $0xF200  }
0x98: {  	[hbm4b:s2+s3] =	stream.indirect_vreg.scatter [tilespmem:s19], [sflag:$0x4], $0x80, v3, vm0, $0xb8;
	[tilespmem:$0x10200] =	vst v63  }
0x99: {  	s19 =	simm.s32 $0xFA00  }
0x9a: {  	[hbm4b:s4+s3] =	stream.indirect_vreg.scatter [tilespmem:s19], [sflag:$0x4], $0x80, v3, vm0, $0xb8;
	[tilespmem:$0x10200] =	vst v63  }
0x9b: {  	_ =	swait.ge [sflag:s17], $0x8000  }
0x9c: {  	[sflag:s17] =	ssyncset.done $0x0  }
0x9d: {  	s19 =	rddreg [dreg:$0x6];
	[sflag:s17] =	ssyncadd.s32 $0xFFFF8000  }
0x9e: {  	[tilespmem:s24], [sflag:$0x1] =	stream.linear.gather [hbm4b:s19+s3], $0x8000, $0x38;
	[tilespmem:$0x10200] =	vst v63  }
0x9f: {  	_ =	swait.ge [sflag:s25], $0x8000  }
0xa0: {  	[sflag:s25] =	ssyncset.done $0x0  }
0xa1: {  	[sflag:s25] =	ssyncadd.s32 $0xFFFF8000  }
0xa2: {  	v3 =	vld [tilespmem:$0x100];
	_ =	sdelay $0x4  }
0xa3: {  	v56 =	vshll.u32 v3, $0x2  }
0xa4: {  	v3 =	vand.u32 $0x7, v3;
	v4 =	vand.u32 $0xFFFFFFE0, v56  }
0xa5: {  	v3 =	vor.u32 v3, v4  }
0xa6: {  	v4 =	vperm.xlane v3, v0;
	_ =	sdelay $0x1  }
0xa7: {  	v4 =	vadd.s32 v1, v4;
	_ =	sdelay $0x1  }
0xa8: {  	v3 =	vperm.xlane v3, v2;
	_ =	sdelay $0x1  }
0xa9: {  	v3 =	vadd.s32 v1, v3  }
0xaa: {  	[hbm4b:s2+s3] =	stream.indirect_vreg.scatter [tilespmem:s24], [sflag:$0x3], $0x80, v4, vm0, $0xb8;
	[tilespmem:$0x10200] =	vst v63  }
0xab: {  	_ = 	snop  }
0xac: {  	[hbm4b:s4+s3] =	stream.indirect_vreg.scatter [tilespmem:s20], [sflag:$0x3], $0x80, v4, vm0, $0xb8;
	[tilespmem:$0x10200] =	vst v63  }
0xad: {  	_ = 	snop  }
0xae: {  	[hbm4b:s2+s3] =	stream.indirect_vreg.scatter [tilespmem:s21], [sflag:$0x3], $0x80, v3, vm0, $0xb8;
	[tilespmem:$0x10200] =	vst v63  }
0xaf: {  	_ = 	snop  }
0xb0: {  	[hbm4b:s4+s3] =	stream.indirect_vreg.scatter [tilespmem:s22], [sflag:$0x3], $0x80, v3, vm0, $0xb8;
	[tilespmem:$0x10200] =	vst v63  }
0xb1: {  	v3 =	vld [tilespmem:$0x110];
	_ =	sdelay $0x4  }
0xb2: {  	v57 =	vshll.u32 v3, $0x2  }
0xb3: {  	v3 =	vand.u32 $0x7, v3;
	v4 =	vand.u32 $0xFFFFFFE0, v57  }
0xb4: {  	v3 =	vor.u32 v3, v4  }
0xb5: {  	v4 =	vperm.xlane v3, v0;
	_ =	sdelay $0x1  }
0xb6: {  	v4 =	vadd.s32 v1, v4;
	_ =	sdelay $0x1  }
0xb7: {  	v3 =	vperm.xlane v3, v2;
	_ =	sdelay $0x1  }
0xb8: {  	v3 =	vadd.s32 v1, v3  }
0xb9: {  	[hbm4b:s2+s3] =	stream.indirect_vreg.scatter [tilespmem:s23], [sflag:$0x3], $0x80, v4, vm0, $0xb8;
	[tilespmem:$0x10200] =	vst v63  }
0xba: {  	_ = 	snop  }
0xbb: {  	[hbm4b:s4+s3] =	stream.indirect_vreg.scatter [tilespmem:s26], [sflag:$0x3], $0x80, v4, vm0, $0xb8;
	[tilespmem:$0x10200] =	vst v63  }
0xbc: {  	_ = 	snop  }
0xbd: {  	[hbm4b:s2+s3] =	stream.indirect_vreg.scatter [tilespmem:s28], [sflag:$0x3], $0x80, v3, vm0, $0xb8;
	[tilespmem:$0x10200] =	vst v63  }
0xbe: {  	_ = 	snop  }
0xbf: {  	[hbm4b:s4+s3] =	stream.indirect_vreg.scatter [tilespmem:s29], [sflag:$0x3], $0x80, v3, vm0, $0xb8;
	[tilespmem:$0x10200] =	vst v63  }
0xc0: {  	v3 =	vld [tilespmem:$0x120];
	_ =	sdelay $0x4  }
0xc1: {  	v58 =	vshll.u32 v3, $0x2  }
0xc2: {  	v3 =	vand.u32 $0x7, v3;
	v4 =	vand.u32 $0xFFFFFFE0, v58  }
0xc3: {  	v3 =	vor.u32 v3, v4  }
0xc4: {  	v4 =	vperm.xlane v3, v0;
	_ =	sdelay $0x1  }
0xc5: {  	v4 =	vadd.s32 v1, v4;
	_ =	sdelay $0x1  }
0xc6: {  	v3 =	vperm.xlane v3, v2;
	_ =	sdelay $0x1  }
0xc7: {  	v3 =	vadd.s32 v1, v3  }
0xc8: {  	[hbm4b:s2+s3] =	stream.indirect_vreg.scatter [tilespmem:s30], [sflag:$0x3], $0x80, v4, vm0, $0xb8;
	[tilespmem:$0x10200] =	vst v63  }
0xc9: {  	_ = 	snop  }
0xca: {  	[hbm4b:s4+s3] =	stream.indirect_vreg.scatter [tilespmem:s31], [sflag:$0x3], $0x80, v4, vm0, $0xb8;
	[tilespmem:$0x10200] =	vst v63  }
0xcb: {  	_ = 	snop  }
0xcc: {  	[hbm4b:s2+s3] =	stream.indirect_vreg.scatter [tilespmem:s6], [sflag:$0x3], $0x80, v3, vm0, $0xb8;
	[tilespmem:$0x10200] =	vst v63  }
0xcd: {  	_ = 	snop  }
0xce: {  	[hbm4b:s4+s3] =	stream.indirect_vreg.scatter [tilespmem:s1], [sflag:$0x3], $0x80, v3, vm0, $0xb8;
	[tilespmem:$0x10200] =	vst v63  }
0xcf: {  	v3 =	vld [tilespmem:$0x130];
	_ =	sdelay $0x4  }
0xd0: {  	v59 =	vshll.u32 v3, $0x2  }
0xd1: {  	v3 =	vand.u32 $0x7, v3;
	v4 =	vand.u32 $0xFFFFFFE0, v59  }
0xd2: {  	v3 =	vor.u32 v3, v4  }
0xd3: {  	v4 =	vperm.xlane v3, v0;
	_ =	sdelay $0x1  }
0xd4: {  	v4 =	vadd.s32 v1, v4;
	_ =	sdelay $0x1  }
0xd5: {  	v3 =	vperm.xlane v3, v2;
	_ =	sdelay $0x1  }
0xd6: {  	v3 =	vadd.s32 v1, v3  }
0xd7: {  	[hbm4b:s2+s3] =	stream.indirect_vreg.scatter [tilespmem:s9], [sflag:$0x3], $0x80, v4, vm0, $0xb8;
	[tilespmem:$0x10200] =	vst v63  }
0xd8: {  	_ = 	snop  }
0xd9: {  	[hbm4b:s4+s3] =	stream.indirect_vreg.scatter [tilespmem:s10], [sflag:$0x3], $0x80, v4, vm0, $0xb8;
	[tilespmem:$0x10200] =	vst v63  }
0xda: {  	_ = 	snop  }
0xdb: {  	[hbm4b:s2+s3] =	stream.indirect_vreg.scatter [tilespmem:s11], [sflag:$0x3], $0x80, v3, vm0, $0xb8;
	[tilespmem:$0x10200] =	vst v63  }
0xdc: {  	_ = 	snop  }
0xdd: {  	[hbm4b:s4+s3] =	stream.indirect_vreg.scatter [tilespmem:s12], [sflag:$0x3], $0x80, v3, vm0, $0xb8;
	[tilespmem:$0x10200] =	vst v63  }
0xde: {  	_ =	swait.ge [sflag:s18], $0x8000  }
0xdf: {  	[sflag:s18] =	ssyncset.done $0x0  }
0xe0: {  	s19 =	rddreg [dreg:$0x7];
	[sflag:s18] =	ssyncadd.s32 $0xFFFF8000  }
0xe1: {  	[tilespmem:s8], [sflag:$0x2] =	stream.linear.gather [hbm4b:s19+s3], $0x8000, $0x38;
	[tilespmem:$0x10200] =	vst v63  }
0xe2: {  	_ =	swait.ge [sflag:s0], $0x8000  }
0xe3: {  	[sflag:s0] =	ssyncset.done $0x0  }
0xe4: {  	[sflag:s0] =	ssyncadd.s32 $0xFFFF8000  }
0xe5: {  	v3 =	vld [tilespmem:$0x180];
	_ =	sdelay $0x4  }
0xe6: {  	v60 =	vshll.u32 v3, $0x2  }
0xe7: {  	v3 =	vand.u32 $0x7, v3;
	v4 =	vand.u32 $0xFFFFFFE0, v60  }
0xe8: {  	v3 =	vor.u32 v3, v4  }
0xe9: {  	v4 =	vperm.xlane v3, v0;
	_ =	sdelay $0x1  }
0xea: {  	v4 =	vadd.s32 v1, v4;
	_ =	sdelay $0x1  }
0xeb: {  	v3 =	vperm.xlane v3, v2;
	_ =	sdelay $0x1  }
0xec: {  	v3 =	vadd.s32 v1, v3  }
0xed: {  	[hbm4b:s2+s3] =	stream.indirect_vreg.scatter [tilespmem:s8], [sflag:$0x4], $0x80, v4, vm0, $0xb8;
	[tilespmem:$0x10200] =	vst v63  }
0xee: {  	_ = 	snop  }
0xef: {  	[hbm4b:s4+s3] =	stream.indirect_vreg.scatter [tilespmem:s13], [sflag:$0x4], $0x80, v4, vm0, $0xb8;
	[tilespmem:$0x10200] =	vst v63  }
0xf0: {  	_ = 	snop  }
0xf1: {  	[hbm4b:s2+s3] =	stream.indirect_vreg.scatter [tilespmem:s14], [sflag:$0x4], $0x80, v3, vm0, $0xb8;
	[tilespmem:$0x10200] =	vst v63  }
0xf2: {  	_ = 	snop  }
0xf3: {  	[hbm4b:s4+s3] =	stream.indirect_vreg.scatter [tilespmem:s15], [sflag:$0x4], $0x80, v3, vm0, $0xb8;
	[tilespmem:$0x10200] =	vst v63  }
0xf4: {  	v3 =	vld [tilespmem:$0x190];
	_ =	sdelay $0x4  }
0xf5: {  	v61 =	vshll.u32 v3, $0x2  }
0xf6: {  	v3 =	vand.u32 $0x7, v3;
	v4 =	vand.u32 $0xFFFFFFE0, v61  }
0xf7: {  	v3 =	vor.u32 v3, v4  }
0xf8: {  	v4 =	vperm.xlane v3, v0;
	_ =	sdelay $0x1  }
0xf9: {  	v4 =	vadd.s32 v1, v4;
	_ =	sdelay $0x1  }
0xfa: {  	v3 =	vperm.xlane v3, v2;
	_ =	sdelay $0x1  }
0xfb: {  	v3 =	vadd.s32 v1, v3  }
0xfc: {  	[hbm4b:s2+s3] =	stream.indirect_vreg.scatter [tilespmem:s16], [sflag:$0x4], $0x80, v4, vm0, $0xb8;
	[tilespmem:$0x10200] =	vst v63  }
0xfd: {  	s19 =	simm.s32 $0xAA00  }
0xfe: {  	[hbm4b:s4+s3] =	stream.indirect_vreg.scatter [tilespmem:s19], [sflag:$0x4], $0x80, v4, vm0, $0xb8;
	[tilespmem:$0x10200] =	vst v63  }
0xff: {  	_ = 	snop  }
0x100: {  	[hbm4b:s2+s3] =	stream.indirect_vreg.scatter [tilespmem:s7], [sflag:$0x4], $0x80, v3, vm0, $0xb8;
	[tilespmem:$0x10200] =	vst v63  }
0x101: {  	s19 =	simm.s32 $0xBA00  }
0x102: {  	[hbm4b:s4+s3] =	stream.indirect_vreg.scatter [tilespmem:s19], [sflag:$0x4], $0x80, v3, vm0, $0xb8;
	[tilespmem:$0x10200] =	vst v63  }
0x103: {  	v3 =	vld [tilespmem:$0x1A0];
	_ =	sdelay $0x4  }
0x104: {  	v62 =	vshll.u32 v3, $0x2  }
0x105: {  	v3 =	vand.u32 $0x7, v3;
	v4 =	vand.u32 $0xFFFFFFE0, v62  }
0x106: {  	v3 =	vor.u32 v3, v4  }
0x107: {  	v4 =	vperm.xlane v3, v0;
	_ =	sdelay $0x1  }
0x108: {  	v4 =	vadd.s32 v1, v4;
	_ =	sdelay $0x1  }
0x109: {  	v3 =	vperm.xlane v3, v2;
	_ =	sdelay $0x1  }
0x10a: {  	s7 =	simm.s32 $0xC200;
	v3 =	vadd.s32 v1, v3  }
0x10b: {  	[hbm4b:s2+s3] =	stream.indirect_vreg.scatter [tilespmem:s7], [sflag:$0x4], $0x80, v4, vm0, $0xb8;
	[tilespmem:$0x10200] =	vst v63  }
0x10c: {  	s19 =	simm.s32 $0xCA00  }
0x10d: {  	[hbm4b:s4+s3] =	stream.indirect_vreg.scatter [tilespmem:s19], [sflag:$0x4], $0x80, v4, vm0, $0xb8;
	[tilespmem:$0x10200] =	vst v63  }
0x10e: {  	s7 =	simm.s32 $0xD200  }
0x10f: {  	[hbm4b:s2+s3] =	stream.indirect_vreg.scatter [tilespmem:s7], [sflag:$0x4], $0x80, v3, vm0, $0xb8;
	[tilespmem:$0x10200] =	vst v63  }
0x110: {  	s19 =	simm.s32 $0xDA00  }
0x111: {  	[hbm4b:s4+s3] =	stream.indirect_vreg.scatter [tilespmem:s19], [sflag:$0x4], $0x80, v3, vm0, $0xb8;
	[tilespmem:$0x10200] =	vst v63  }
0x112: {  	v3 =	vld [tilespmem:$0x1B0];
	_ =	sdelay $0x4  }
0x113: {  	v63 =	vshll.u32 v3, $0x2  }
0x114: {  	v3 =	vand.u32 $0x7, v3;
	v4 =	vand.u32 $0xFFFFFFE0, v63  }
0x115: {  	v3 =	vor.u32 v3, v4  }
0x116: {  	v4 =	vperm.xlane v3, v0;
	_ =	sdelay $0x1  }
0x117: {  	v4 =	vadd.s32 v1, v4;
	_ =	sdelay $0x1  }
0x118: {  	v3 =	vperm.xlane v3, v2;
	_ =	sdelay $0x1  }
0x119: {  	s7 =	simm.s32 $0xE200;
	v3 =	vadd.s32 v1, v3  }
0x11a: {  	[hbm4b:s2+s3] =	stream.indirect_vreg.scatter [tilespmem:s7], [sflag:$0x4], $0x80, v4, vm0, $0xb8;
	[tilespmem:$0x10200] =	vst v63  }
0x11b: {  	s19 =	simm.s32 $0xEA00  }
0x11c: {  	[hbm4b:s4+s3] =	stream.indirect_vreg.scatter [tilespmem:s19], [sflag:$0x4], $0x80, v4, vm0, $0xb8;
	[tilespmem:$0x10200] =	vst v63  }
0x11d: {  	s7 =	simm.s32 $0xF200  }
0x11e: {  	[hbm4b:s2+s3] =	stream.indirect_vreg.scatter [tilespmem:s7], [sflag:$0x4], $0x80, v3, vm0, $0xb8;
	[tilespmem:$0x10200] =	vst v63  }
0x11f: {  	s19 =	simm.s32 $0xFA00  }
0x120: {  	[hbm4b:s4+s3] =	stream.indirect_vreg.scatter [tilespmem:s19], [sflag:$0x4], $0x80, v3, vm0, $0xb8;
	[tilespmem:$0x10200] =	vst v63  }
0x121: {  	p0 =	sne.s32 s5, $0x1;
	_ =	swait.ge [sflag:s17], $0x8000  }
.Ltmp0:
0x122: {  	[sflag:s17] =	ssyncset.done $0x0;
	(pc) =	sbr.rel @p0 .LBB2_1-.Ltmp0, $4  }
0x123: {  	[sflag:s17] =	ssyncadd.s32 $0xFFFF8000  }
0x124: {  	_ =	swait.ge [sflag:s18], $0x8000  }
0x125: {  	[sflag:s18] =	ssyncset.done $0x0  }
0x126: {  	s5 =	sadd.s32 $0xFFFFFFFF, s5;
	[sflag:s18] =	ssyncadd.s32 $0xFFFF8000  }
0x127: {  	_ =	sfence.sel $0x180000  }
0x128: {  	[bflag:$0x0] =	sbarrier.arrive $0xFFFF  }
0x129: {  	_ =	strace $0x90000047  }
0x12a: {  	s0 =	stileid.u32;
	[bflag:$0x2] =	sbarrier.arrive $0xFFFF  }
0x12b: {  	p0 =	sne.s32 s0, $0x0;
	s0 =	rddreg [dreg:$0x2]  }
0x12c: {  	s0 =	sadd.s32 @!p0 $0x100000, s0  }
0x12d: {  	[sflag:s0] =	ssyncadd.tile.s32 @!p0 $0x1;
	_ =	shalt  }
.Lfunc_end2:
_tile_overlayer_lowered:
.L_overlay_start_2:
0x12e: {  	(tag) =	ssettag $0x2  }
0x12f: {  	s0 =	rddreg [dreg:$0x0];
	s2 =	stileid.u32  }
0x130: {  	s1 =	rddreg [dreg:$0x1];
	p0 =	sne.s32 s2, $0x0  }
0x131: {  	s3 =	rddreg [dreg:$0x2];
	[bflag:$0x3] =	sbarrier.arrive $0xFFFF;
	s2 =	simm.s32 @!p0 $0x1C05  }
0x132: {  	[timem:s3], [sflag:s2] =	dma.local @!p0 [hbm:s0], s1  }
0x133: {  	s0 =	simm.s32 @!p0 $0x5  }
0x134: {  	_ =	swait.ge @!p0 [sflag:s0], s1  }
0x135: {  	s1 =	ssub.s32 @!p0 $0x0, s1;
	[sflag:s0] =	ssyncset.done @!p0 $0x0  }
0x136: {  	[sflag:s0] =	ssyncadd.s32 @!p0 s1  }
0x137: {  	[bflag:$0x3] =	sbarrier.arrive $0xFFFF  }
0x138: {  	_ =	shalt  }

</sc_bundles>
